<compile_context>
chip_gen: v7x
topology: tpu7x:2x2x1
jax: 0.10.2.dev20260603
libtpu: 0.0.44.dev20260713+nightly
codegen_flags: <defaults>
</compile_context>

<pallas_src>
import functools
import math

import jax
import jax.numpy as jnp
from jax import lax
from jax.experimental import pallas as pl
from jax.experimental.pallas import tpu as pltpu
from jax.experimental.pallas import tpu_sc as plsc

_N_TOPIC = 256
_V_DIM = 10000
_HID = 2048
_EMB = 300
_VOCAB = 100000
_K = _N_TOPIC + _V_DIM

_BKK = 1024
_KGRID = 10
_BN_INV = 1.0 / math.sqrt(1.0 + 1e-5)


def _mlp_body(theta_ref, bow_ref, w1t_ref, w1tail_ref, gamma_ref, beta_ref,
              b1_ref, w2_ref, b2_ref, out_ref, p_scr, h_scr):
    k = pl.program_id(0)

    @pl.when(k == 0)
    def _concat():
        p_scr[0:1, pl.ds(0, _N_TOPIC)] = theta_ref[...][None, :]
        p_scr[0:1, pl.ds(_N_TOPIC, _V_DIM)] = bow_ref[...][None, :]

    part = lax.dot_general(
        p_scr[0:1, pl.ds(k * _BKK, _BKK)], w1t_ref[...],
        (((1,), (0,)), ((), ())), preferred_element_type=jnp.float32,
    )

    @pl.when(k == 0)
    def _init():
        h_scr[...] = part

    @pl.when(k > 0)
    def _acc():
        h_scr[...] += part

    @pl.when(k == _KGRID - 1)
    def _epilogue():
        tail = lax.dot_general(
            p_scr[0:1, pl.ds(_KGRID * _BKK, _K - _KGRID * _BKK)],
            w1tail_ref[...], (((1,), (0,)), ((), ())),
            preferred_element_type=jnp.float32,
        )
        h = h_scr[...] + tail
        scale = gamma_ref[...][None, :] * _BN_INV
        h = (h + b1_ref[...][None, :]) * scale + beta_ref[...][None, :]
        h = jnp.where(h > 0.0, h, 0.01 * h)
        out_ref[...] = (b2_ref[...][None, :]
                        + jnp.sum(h * w2_ref[...][None, :], axis=1, keepdims=True))


_mlp_call = pl.pallas_call(
    _mlp_body,
    grid=(_KGRID,),
    in_specs=[
        pl.BlockSpec((_N_TOPIC,), lambda k: (0,)),
        pl.BlockSpec((_V_DIM,), lambda k: (0,)),
        pl.BlockSpec((_BKK, _HID), lambda k: (k, 0)),
        pl.BlockSpec((_K - _KGRID * _BKK, _HID),
                     lambda k: (_KGRID * _BKK // (_K - _KGRID * _BKK), 0)),
        pl.BlockSpec((_HID,), lambda k: (0,)),
        pl.BlockSpec((_HID,), lambda k: (0,)),
        pl.BlockSpec((_HID,), lambda k: (0,)),
        pl.BlockSpec((_HID,), lambda k: (0,)),
        pl.BlockSpec((1,), lambda k: (0,)),
    ],
    out_specs=pl.BlockSpec((1, 1), lambda k: (0, 0)),
    out_shape=jax.ShapeDtypeStruct((1, 1), jnp.float32),
    scratch_shapes=[
        pltpu.VMEM((1, _K), jnp.float32),
        pltpu.VMEM((1, _HID), jnp.float32),
    ],
)

_NW = 32
_BPW = 320
_PAD_N = _NW * _BPW
_GB = 80
_GCH = _BPW // _GB
_VPAD = 102400
_STRIPE = _VPAD // 16


def _scatter_body(idx_hbm, w_hbm, out_hbm, idx_v, w_v, zero_v, s_sh, sem):
    cid = lax.axis_index("c")
    sid = lax.axis_index("s")
    wid = sid * 2 + cid
    base = wid * _BPW

    def stage(g):
        pltpu.sync_copy(idx_hbm.at[pl.ds(base + g * _GB, _GB)], idx_v.at[g])
        pltpu.sync_copy(w_hbm.at[pl.ds(base + g * _GB, _GB)], w_v.at[g])

    stage(0)

    @pl.when(wid < _NW - 1)
    def _stage_rest():
        for g in range(1, _GCH):
            stage(g)

    def zloop(j, carry):
        zero_v[pl.ds(j * 16, 16)] = jnp.zeros((16,), jnp.float32)
        return carry

    lax.fori_loop(0, _STRIPE // 16, zloop, 0)
    pltpu.sync_copy(zero_v, s_sh.at[pl.ds(sid * _STRIPE, _STRIPE)])

    plsc.subcore_barrier()

    pltpu.sync_copy(w_v.at[0], s_sh.at[idx_v.at[0]], add=True)

    @pl.when(wid < _NW - 1)
    def _scatter_rest():
        for g in range(1, _GCH):
            pltpu.sync_copy(w_v.at[g], s_sh.at[idx_v.at[g]], add=True)

    plsc.subcore_barrier()

    pltpu.sync_copy(s_sh.at[pl.ds(sid * _STRIPE, _STRIPE)],
                    out_hbm.at[cid, pl.ds(sid * _STRIPE, _STRIPE)])


@functools.lru_cache(maxsize=1)
def _build_scatter():
    return functools.partial(
        pl.kernel,
        out_type=jax.ShapeDtypeStruct((2, _VPAD), jnp.float32),
        mesh=plsc.VectorSubcoreMesh(core_axis_name="c", subcore_axis_name="s"),
        scratch_types=[
            pltpu.VMEM((_GCH, _GB), jnp.int32),
            pltpu.VMEM((_GCH, _GB), jnp.float32),
            pltpu.VMEM((_STRIPE,), jnp.float32),
            pltpu.VMEM_SHARED((_VPAD,), jnp.float32),
            pltpu.SemaphoreType.DMA,
        ],
    )(_scatter_body)


_BV = 12800
_VGRID = _VPAD // _BV


def _bag_body(s_ref, et_ref, out_ref):
    k = pl.program_id(0)
    sv = s_ref[0:1, :] + s_ref[1:2, :]
    last_valid = _VOCAB - (_VGRID - 1) * _BV

    @pl.when(k == _VGRID - 1)
    def _mask():
        col = lax.broadcasted_iota(jnp.int32, (_EMB, _BV), 1)
        et_ref[...] = jnp.where(col < last_valid, et_ref[...], 0.0)

    et = et_ref[...]
    part = lax.dot_general(
        sv, et, (((1,), (1,)), ((), ())),
        preferred_element_type=jnp.float32,
    )

    @pl.when(k == 0)
    def _init():
        out_ref[...] = part

    @pl.when(k > 0)
    def _acc():
        out_ref[...] += part


_bag_call = pl.pallas_call(
    _bag_body,
    grid=(_VGRID,),
    in_specs=[
        pl.BlockSpec((2, _BV), lambda k: (0, k)),
        pl.BlockSpec((_EMB, _BV), lambda k: (0, k)),
    ],
    out_specs=pl.BlockSpec((1, _EMB), lambda k: (0, 0)),
    out_shape=jax.ShapeDtypeStruct((1, _EMB), jnp.float32),
    compiler_params=pltpu.CompilerParams(dimension_semantics=("arbitrary",)),
)


def kernel(theta, bow, word_inputs, W1, b1, gamma, beta, W2, b2, embedding):
    w1t = W1.T
    score = _mlp_call(theta, bow, w1t, w1t, gamma, beta, b1, W2.reshape(_HID), b2)

    s2 = _build_scatter()(word_inputs, bow)
    word_embedding = _bag_call(s2, embedding.T).reshape(_EMB)
    return score.reshape(1), word_embedding

# --- scband reference (transcript-rebuilt; emitter-appended) ---
"""Pipeline reference for scband-word-embedding-discriminator-49100066128557 (READ-ONLY COPY).

The authoritative reference and input builder live on the scoring server;
editing this copy changes nothing except your own understanding.
"""

import jax, jax.numpy as jnp
import numpy as np

N_TOPIC = 256
V_DIM = 10000
HID = 2048
N_VOCAB_EMB = 100000
EMB_DIM = 300


def setup_inputs(seed: int = 0) -> dict:
    key = jax.random.key(seed)
    ks = jax.random.split(key, 8)
    theta = jax.random.uniform(ks[0], (N_TOPIC,), dtype=jnp.float32)
    bow = jax.random.uniform(ks[1], (V_DIM,), dtype=jnp.float32)
    word_inputs = jax.random.randint(ks[2], (V_DIM,), 0, N_VOCAB_EMB, dtype=jnp.int32)
    W1 = jax.random.normal(ks[3], (HID, N_TOPIC + V_DIM), dtype=jnp.float32) * 0.01
    b1 = jnp.zeros((HID,), dtype=jnp.float32)
    gamma = jnp.ones((HID,), dtype=jnp.float32)
    beta = jnp.zeros((HID,), dtype=jnp.float32)
    W2 = jax.random.normal(ks[4], (1, HID), dtype=jnp.float32) * 0.01
    b2 = jnp.zeros((1,), dtype=jnp.float32)
    embedding = jax.random.normal(ks[5], (N_VOCAB_EMB, EMB_DIM), dtype=jnp.float32) * 0.1
    return {
        "theta": theta,
        "bow": bow,
        "word_inputs": word_inputs,
        "W1": W1,
        "b1": b1,
        "gamma": gamma,
        "beta": beta,
        "W2": W2,
        "b2": b2,
        "embedding": embedding,
    }


def reference(theta, bow, word_inputs, W1, b1, gamma, beta, W2, b2, embedding):
    # p_join = torch.cat([theta, bow])  (1-D concat along feature axis)
    p_join = jnp.concatenate([theta, bow], axis=0)  # [N_TOPIC + V_DIM]
    # Linear(n_topic + v_dim -> hid)
    h = W1 @ p_join + b1  # [HID]
    # BatchNorm1d in eval mode (running_mean=0, running_var=1)
    eps = 1e-5
    h = (h - 0.0) / jnp.sqrt(1.0 + eps) * gamma + beta
    # LeakyReLU (default negative_slope = 0.01)
    h = jnp.where(h > 0, h, 0.01 * h)
    # Linear(hid -> 1)
    score = W2 @ h + b2  # [1]
    # EmbeddingBag(mode='sum') with per_sample_weights=bow, then squeeze(dim=0)
    word_embedding = jnp.sum(embedding[word_inputs] * bow[:, None], axis=0)  # [EMB_DIM]
    return score, word_embedding

if __name__ == "__main__":
    import jax
    _d = setup_inputs()
    print(jax.jit(kernel)(*tuple(_d.values())))

</pallas_src>

<mosaic_0001>
#map = affine_map<(d0, d1) -> (0)>
#map1 = affine_map<(d0, d1) -> (0, 0)>
module attributes {stable_mosaic.version = 14 : i64} {
  func.func @_scatter_body(%arg0: i32, %arg1: i32, %arg2: memref<10000xi32, #tpu.memory_space<hbm>>, %arg3: memref<10000xf32, #tpu.memory_space<hbm>>, %arg4: memref<2x102400xf32, #tpu.memory_space<hbm>>, %arg5: memref<4x80xi32, #tpu.memory_space<vmem>>, %arg6: memref<4x80xf32, #tpu.memory_space<vmem>>, %arg7: memref<6400xf32, #tpu.memory_space<vmem>>, %arg8: memref<102400xf32, #tpu.memory_space<vmem_shared>>, %arg9: memref<!tpu.dma_semaphore, #tpu.memory_space<semaphore_mem>>) attributes {dimension_semantics = [#tpu.dimension_semantics<core_parallel>, #tpu.dimension_semantics<subcore_parallel>], iteration_bounds = array<i64: 2, 16>, scalar_prefetch = 0 : i64, scratch_operands = 5 : i64, tpu.core_type = #tpu.core_type<sc_vector_subcore>, window_params = [{transform_indices = #map}, {transform_indices = #map}, {transform_indices = #map1}]} {
    %mul3A = arith.constant 2 : i32
    %mul3A_0 = arith.muli %arg1, %mul3A : i32
    %add3A = arith.addi %mul3A_0, %arg0 : i32
    %mul3A_1 = arith.constant 320 : i32
    %mul3A_2 = arith.muli %add3A, %mul3A_1 : i32
    %add3A_3 = arith.constant 0 : i32
    %add3A_4 = arith.addi %mul3A_2, %add3A_3 : i32
    %run_scoped3A = arith.constant 0 : i32
    "tpu.region"() ({
      %run_scoped3A_29 = tpu.sem_alloc : memref<!tpu.dma_semaphore, #tpu.memory_space<semaphore_mem>>
      %dma_start3A = arith.constant 0 : i32
      %dma_start3A_30 = tpu.memref_slice %arg5[%run_scoped3A, %dma_start3A] : memref<4x80xi32, #tpu.memory_space<vmem>> -> memref<1x80xi32, #tpu.memory_space<vmem>>
      %dma_start3A_31 = tpu.memref_squeeze %dma_start3A_30 : memref<1x80xi32, #tpu.memory_space<vmem>> -> memref<80xi32, #tpu.memory_space<vmem>>
      %dma_start3A_32 = tpu.memref_slice %arg2[%add3A_4] : memref<10000xi32, #tpu.memory_space<hbm>> -> memref<80xi32, #tpu.memory_space<hbm>>
      %dma_start3A_33 = arith.constant 0 : i32
      %dma_start3A_34 = tpu.memref_slice %arg5[%run_scoped3A, %dma_start3A_33] : memref<4x80xi32, #tpu.memory_space<vmem>> -> memref<1x80xi32, #tpu.memory_space<vmem>>
      %dma_start3A_35 = tpu.memref_squeeze %dma_start3A_34 : memref<1x80xi32, #tpu.memory_space<vmem>> -> memref<80xi32, #tpu.memory_space<vmem>>
      %dma_start3A_36 = tpu.memref_slice %arg2[%add3A_4] : memref<10000xi32, #tpu.memory_space<hbm>> -> memref<80xi32, #tpu.memory_space<hbm>>
      tpu.enqueue_dma source(%dma_start3A_36 : memref<80xi32, #tpu.memory_space<hbm>>) target(%dma_start3A_35 : memref<80xi32, #tpu.memory_space<vmem>>) target_semaphore(%run_scoped3A_29 : memref<!tpu.dma_semaphore, #tpu.memory_space<semaphore_mem>>)
      %dma_wait3A = arith.constant 0 : i32
      %dma_wait3A_37 = tpu.memref_slice %arg5[%run_scoped3A, %dma_wait3A] : memref<4x80xi32, #tpu.memory_space<vmem>> -> memref<1x80xi32, #tpu.memory_space<vmem>>
      %dma_wait3A_38 = tpu.memref_squeeze %dma_wait3A_37 : memref<1x80xi32, #tpu.memory_space<vmem>> -> memref<80xi32, #tpu.memory_space<vmem>>
      %dma_wait3A_39 = tpu.memref_slice %arg2[%add3A_4] : memref<10000xi32, #tpu.memory_space<hbm>> -> memref<80xi32, #tpu.memory_space<hbm>>
      %dma_wait3A_40 = arith.constant 0 : i32
      %dma_wait3A_41 = tpu.memref_slice %arg5[%run_scoped3A, %dma_wait3A_40] : memref<4x80xi32, #tpu.memory_space<vmem>> -> memref<1x80xi32, #tpu.memory_space<vmem>>
      %dma_wait3A_42 = tpu.memref_squeeze %dma_wait3A_41 : memref<1x80xi32, #tpu.memory_space<vmem>> -> memref<80xi32, #tpu.memory_space<vmem>>
      %dma_wait3A_43 = tpu.memref_slice %arg2[%add3A_4] : memref<10000xi32, #tpu.memory_space<hbm>> -> memref<80xi32, #tpu.memory_space<hbm>>
      tpu.wait_dma2 semaphore(%run_scoped3A_29 : memref<!tpu.dma_semaphore, #tpu.memory_space<semaphore_mem>>) src(%dma_wait3A_43 : memref<80xi32, #tpu.memory_space<hbm>>) dst(%dma_wait3A_42 : memref<80xi32, #tpu.memory_space<vmem>>)
      tpu.yield
    }) : () -> ()
    %add3A_5 = arith.constant 0 : i32
    %add3A_6 = arith.addi %mul3A_2, %add3A_5 : i32
    %run_scoped3A_7 = arith.constant 0 : i32
    "tpu.region"() ({
      %run_scoped3A_29 = tpu.sem_alloc : memref<!tpu.dma_semaphore, #tpu.memory_space<semaphore_mem>>
      %dma_start3A = arith.constant 0 : i32
      %dma_start3A_30 = tpu.memref_slice %arg6[%run_scoped3A_7, %dma_start3A] : memref<4x80xf32, #tpu.memory_space<vmem>> -> memref<1x80xf32, #tpu.memory_space<vmem>>
      %dma_start3A_31 = tpu.memref_squeeze %dma_start3A_30 : memref<1x80xf32, #tpu.memory_space<vmem>> -> memref<80xf32, #tpu.memory_space<vmem>>
      %dma_start3A_32 = tpu.memref_slice %arg3[%add3A_6] : memref<10000xf32, #tpu.memory_space<hbm>> -> memref<80xf32, #tpu.memory_space<hbm>>
      %dma_start3A_33 = arith.constant 0 : i32
      %dma_start3A_34 = tpu.memref_slice %arg6[%run_scoped3A_7, %dma_start3A_33] : memref<4x80xf32, #tpu.memory_space<vmem>> -> memref<1x80xf32, #tpu.memory_space<vmem>>
      %dma_start3A_35 = tpu.memref_squeeze %dma_start3A_34 : memref<1x80xf32, #tpu.memory_space<vmem>> -> memref<80xf32, #tpu.memory_space<vmem>>
      %dma_start3A_36 = tpu.memref_slice %arg3[%add3A_6] : memref<10000xf32, #tpu.memory_space<hbm>> -> memref<80xf32, #tpu.memory_space<hbm>>
      tpu.enqueue_dma source(%dma_start3A_36 : memref<80xf32, #tpu.memory_space<hbm>>) target(%dma_start3A_35 : memref<80xf32, #tpu.memory_space<vmem>>) target_semaphore(%run_scoped3A_29 : memref<!tpu.dma_semaphore, #tpu.memory_space<semaphore_mem>>)
      %dma_wait3A = arith.constant 0 : i32
      %dma_wait3A_37 = tpu.memref_slice %arg6[%run_scoped3A_7, %dma_wait3A] : memref<4x80xf32, #tpu.memory_space<vmem>> -> memref<1x80xf32, #tpu.memory_space<vmem>>
      %dma_wait3A_38 = tpu.memref_squeeze %dma_wait3A_37 : memref<1x80xf32, #tpu.memory_space<vmem>> -> memref<80xf32, #tpu.memory_space<vmem>>
      %dma_wait3A_39 = tpu.memref_slice %arg3[%add3A_6] : memref<10000xf32, #tpu.memory_space<hbm>> -> memref<80xf32, #tpu.memory_space<hbm>>
      %dma_wait3A_40 = arith.constant 0 : i32
      %dma_wait3A_41 = tpu.memref_slice %arg6[%run_scoped3A_7, %dma_wait3A_40] : memref<4x80xf32, #tpu.memory_space<vmem>> -> memref<1x80xf32, #tpu.memory_space<vmem>>
      %dma_wait3A_42 = tpu.memref_squeeze %dma_wait3A_41 : memref<1x80xf32, #tpu.memory_space<vmem>> -> memref<80xf32, #tpu.memory_space<vmem>>
      %dma_wait3A_43 = tpu.memref_slice %arg3[%add3A_6] : memref<10000xf32, #tpu.memory_space<hbm>> -> memref<80xf32, #tpu.memory_space<hbm>>
      tpu.wait_dma2 semaphore(%run_scoped3A_29 : memref<!tpu.dma_semaphore, #tpu.memory_space<semaphore_mem>>) src(%dma_wait3A_43 : memref<80xf32, #tpu.memory_space<hbm>>) dst(%dma_wait3A_42 : memref<80xf32, #tpu.memory_space<vmem>>)
      tpu.yield
    }) : () -> ()
    %lt3A = arith.constant 31 : i32
    %lt3A_8 = arith.cmpi slt, %add3A, %lt3A : i32
    %convert_element_type3A = arith.extui %lt3A_8 : i1 to i32
    %cond3A = arith.constant 0 : i32
    %cond3A_9 = arith.cmpi ne, %convert_element_type3A, %cond3A : i32
    scf.if %cond3A_9 {
      %add3A_29 = arith.constant 80 : i32
      %add3A_30 = arith.addi %mul3A_2, %add3A_29 : i32
      %run_scoped3A_31 = arith.constant 1 : i32
      "tpu.region"() ({
        %run_scoped3A_47 = tpu.sem_alloc : memref<!tpu.dma_semaphore, #tpu.memory_space<semaphore_mem>>
        %dma_start3A = arith.constant 0 : i32
        %dma_start3A_48 = tpu.memref_slice %arg5[%run_scoped3A_31, %dma_start3A] : memref<4x80xi32, #tpu.memory_space<vmem>> -> memref<1x80xi32, #tpu.memory_space<vmem>>
        %dma_start3A_49 = tpu.memref_squeeze %dma_start3A_48 : memref<1x80xi32, #tpu.memory_space<vmem>> -> memref<80xi32, #tpu.memory_space<vmem>>
        %dma_start3A_50 = tpu.memref_slice %arg2[%add3A_30] : memref<10000xi32, #tpu.memory_space<hbm>> -> memref<80xi32, #tpu.memory_space<hbm>>
        %dma_start3A_51 = arith.constant 0 : i32
        %dma_start3A_52 = tpu.memref_slice %arg5[%run_scoped3A_31, %dma_start3A_51] : memref<4x80xi32, #tpu.memory_space<vmem>> -> memref<1x80xi32, #tpu.memory_space<vmem>>
        %dma_start3A_53 = tpu.memref_squeeze %dma_start3A_52 : memref<1x80xi32, #tpu.memory_space<vmem>> -> memref<80xi32, #tpu.memory_space<vmem>>
        %dma_start3A_54 = tpu.memref_slice %arg2[%add3A_30] : memref<10000xi32, #tpu.memory_space<hbm>> -> memref<80xi32, #tpu.memory_space<hbm>>
        tpu.enqueue_dma source(%dma_start3A_54 : memref<80xi32, #tpu.memory_space<hbm>>) target(%dma_start3A_53 : memref<80xi32, #tpu.memory_space<vmem>>) target_semaphore(%run_scoped3A_47 : memref<!tpu.dma_semaphore, #tpu.memory_space<semaphore_mem>>)
        %dma_wait3A = arith.constant 0 : i32
        %dma_wait3A_55 = tpu.memref_slice %arg5[%run_scoped3A_31, %dma_wait3A] : memref<4x80xi32, #tpu.memory_space<vmem>> -> memref<1x80xi32, #tpu.memory_space<vmem>>
        %dma_wait3A_56 = tpu.memref_squeeze %dma_wait3A_55 : memref<1x80xi32, #tpu.memory_space<vmem>> -> memref<80xi32, #tpu.memory_space<vmem>>
        %dma_wait3A_57 = tpu.memref_slice %arg2[%add3A_30] : memref<10000xi32, #tpu.memory_space<hbm>> -> memref<80xi32, #tpu.memory_space<hbm>>
        %dma_wait3A_58 = arith.constant 0 : i32
        %dma_wait3A_59 = tpu.memref_slice %arg5[%run_scoped3A_31, %dma_wait3A_58] : memref<4x80xi32, #tpu.memory_space<vmem>> -> memref<1x80xi32, #tpu.memory_space<vmem>>
        %dma_wait3A_60 = tpu.memref_squeeze %dma_wait3A_59 : memref<1x80xi32, #tpu.memory_space<vmem>> -> memref<80xi32, #tpu.memory_space<vmem>>
        %dma_wait3A_61 = tpu.memref_slice %arg2[%add3A_30] : memref<10000xi32, #tpu.memory_space<hbm>> -> memref<80xi32, #tpu.memory_space<hbm>>
        tpu.wait_dma2 semaphore(%run_scoped3A_47 : memref<!tpu.dma_semaphore, #tpu.memory_space<semaphore_mem>>) src(%dma_wait3A_61 : memref<80xi32, #tpu.memory_space<hbm>>) dst(%dma_wait3A_60 : memref<80xi32, #tpu.memory_space<vmem>>)
        tpu.yield
      }) : () -> ()
      %add3A_32 = arith.constant 80 : i32
      %add3A_33 = arith.addi %mul3A_2, %add3A_32 : i32
      %run_scoped3A_34 = arith.constant 1 : i32
      "tpu.region"() ({
        %run_scoped3A_47 = tpu.sem_alloc : memref<!tpu.dma_semaphore, #tpu.memory_space<semaphore_mem>>
        %dma_start3A = arith.constant 0 : i32
        %dma_start3A_48 = tpu.memref_slice %arg6[%run_scoped3A_34, %dma_start3A] : memref<4x80xf32, #tpu.memory_space<vmem>> -> memref<1x80xf32, #tpu.memory_space<vmem>>
        %dma_start3A_49 = tpu.memref_squeeze %dma_start3A_48 : memref<1x80xf32, #tpu.memory_space<vmem>> -> memref<80xf32, #tpu.memory_space<vmem>>
        %dma_start3A_50 = tpu.memref_slice %arg3[%add3A_33] : memref<10000xf32, #tpu.memory_space<hbm>> -> memref<80xf32, #tpu.memory_space<hbm>>
        %dma_start3A_51 = arith.constant 0 : i32
        %dma_start3A_52 = tpu.memref_slice %arg6[%run_scoped3A_34, %dma_start3A_51] : memref<4x80xf32, #tpu.memory_space<vmem>> -> memref<1x80xf32, #tpu.memory_space<vmem>>
        %dma_start3A_53 = tpu.memref_squeeze %dma_start3A_52 : memref<1x80xf32, #tpu.memory_space<vmem>> -> memref<80xf32, #tpu.memory_space<vmem>>
        %dma_start3A_54 = tpu.memref_slice %arg3[%add3A_33] : memref<10000xf32, #tpu.memory_space<hbm>> -> memref<80xf32, #tpu.memory_space<hbm>>
        tpu.enqueue_dma source(%dma_start3A_54 : memref<80xf32, #tpu.memory_space<hbm>>) target(%dma_start3A_53 : memref<80xf32, #tpu.memory_space<vmem>>) target_semaphore(%run_scoped3A_47 : memref<!tpu.dma_semaphore, #tpu.memory_space<semaphore_mem>>)
        %dma_wait3A = arith.constant 0 : i32
        %dma_wait3A_55 = tpu.memref_slice %arg6[%run_scoped3A_34, %dma_wait3A] : memref<4x80xf32, #tpu.memory_space<vmem>> -> memref<1x80xf32, #tpu.memory_space<vmem>>
        %dma_wait3A_56 = tpu.memref_squeeze %dma_wait3A_55 : memref<1x80xf32, #tpu.memory_space<vmem>> -> memref<80xf32, #tpu.memory_space<vmem>>
        %dma_wait3A_57 = tpu.memref_slice %arg3[%add3A_33] : memref<10000xf32, #tpu.memory_space<hbm>> -> memref<80xf32, #tpu.memory_space<hbm>>
        %dma_wait3A_58 = arith.constant 0 : i32
        %dma_wait3A_59 = tpu.memref_slice %arg6[%run_scoped3A_34, %dma_wait3A_58] : memref<4x80xf32, #tpu.memory_space<vmem>> -> memref<1x80xf32, #tpu.memory_space<vmem>>
        %dma_wait3A_60 = tpu.memref_squeeze %dma_wait3A_59 : memref<1x80xf32, #tpu.memory_space<vmem>> -> memref<80xf32, #tpu.memory_space<vmem>>
        %dma_wait3A_61 = tpu.memref_slice %arg3[%add3A_33] : memref<10000xf32, #tpu.memory_space<hbm>> -> memref<80xf32, #tpu.memory_space<hbm>>
        tpu.wait_dma2 semaphore(%run_scoped3A_47 : memref<!tpu.dma_semaphore, #tpu.memory_space<semaphore_mem>>) src(%dma_wait3A_61 : memref<80xf32, #tpu.memory_space<hbm>>) dst(%dma_wait3A_60 : memref<80xf32, #tpu.memory_space<vmem>>)
        tpu.yield
      }) : () -> ()
      %add3A_35 = arith.constant 160 : i32
      %add3A_36 = arith.addi %mul3A_2, %add3A_35 : i32
      %run_scoped3A_37 = arith.constant 2 : i32
      "tpu.region"() ({
        %run_scoped3A_47 = tpu.sem_alloc : memref<!tpu.dma_semaphore, #tpu.memory_space<semaphore_mem>>
        %dma_start3A = arith.constant 0 : i32
        %dma_start3A_48 = tpu.memref_slice %arg5[%run_scoped3A_37, %dma_start3A] : memref<4x80xi32, #tpu.memory_space<vmem>> -> memref<1x80xi32, #tpu.memory_space<vmem>>
        %dma_start3A_49 = tpu.memref_squeeze %dma_start3A_48 : memref<1x80xi32, #tpu.memory_space<vmem>> -> memref<80xi32, #tpu.memory_space<vmem>>
        %dma_start3A_50 = tpu.memref_slice %arg2[%add3A_36] : memref<10000xi32, #tpu.memory_space<hbm>> -> memref<80xi32, #tpu.memory_space<hbm>>
        %dma_start3A_51 = arith.constant 0 : i32
        %dma_start3A_52 = tpu.memref_slice %arg5[%run_scoped3A_37, %dma_start3A_51] : memref<4x80xi32, #tpu.memory_space<vmem>> -> memref<1x80xi32, #tpu.memory_space<vmem>>
        %dma_start3A_53 = tpu.memref_squeeze %dma_start3A_52 : memref<1x80xi32, #tpu.memory_space<vmem>> -> memref<80xi32, #tpu.memory_space<vmem>>
        %dma_start3A_54 = tpu.memref_slice %arg2[%add3A_36] : memref<10000xi32, #tpu.memory_space<hbm>> -> memref<80xi32, #tpu.memory_space<hbm>>
        tpu.enqueue_dma source(%dma_start3A_54 : memref<80xi32, #tpu.memory_space<hbm>>) target(%dma_start3A_53 : memref<80xi32, #tpu.memory_space<vmem>>) target_semaphore(%run_scoped3A_47 : memref<!tpu.dma_semaphore, #tpu.memory_space<semaphore_mem>>)
        %dma_wait3A = arith.constant 0 : i32
        %dma_wait3A_55 = tpu.memref_slice %arg5[%run_scoped3A_37, %dma_wait3A] : memref<4x80xi32, #tpu.memory_space<vmem>> -> memref<1x80xi32, #tpu.memory_space<vmem>>
        %dma_wait3A_56 = tpu.memref_squeeze %dma_wait3A_55 : memref<1x80xi32, #tpu.memory_space<vmem>> -> memref<80xi32, #tpu.memory_space<vmem>>
        %dma_wait3A_57 = tpu.memref_slice %arg2[%add3A_36] : memref<10000xi32, #tpu.memory_space<hbm>> -> memref<80xi32, #tpu.memory_space<hbm>>
        %dma_wait3A_58 = arith.constant 0 : i32
        %dma_wait3A_59 = tpu.memref_slice %arg5[%run_scoped3A_37, %dma_wait3A_58] : memref<4x80xi32, #tpu.memory_space<vmem>> -> memref<1x80xi32, #tpu.memory_space<vmem>>
        %dma_wait3A_60 = tpu.memref_squeeze %dma_wait3A_59 : memref<1x80xi32, #tpu.memory_space<vmem>> -> memref<80xi32, #tpu.memory_space<vmem>>
        %dma_wait3A_61 = tpu.memref_slice %arg2[%add3A_36] : memref<10000xi32, #tpu.memory_space<hbm>> -> memref<80xi32, #tpu.memory_space<hbm>>
        tpu.wait_dma2 semaphore(%run_scoped3A_47 : memref<!tpu.dma_semaphore, #tpu.memory_space<semaphore_mem>>) src(%dma_wait3A_61 : memref<80xi32, #tpu.memory_space<hbm>>) dst(%dma_wait3A_60 : memref<80xi32, #tpu.memory_space<vmem>>)
        tpu.yield
      }) : () -> ()
      %add3A_38 = arith.constant 160 : i32
      %add3A_39 = arith.addi %mul3A_2, %add3A_38 : i32
      %run_scoped3A_40 = arith.constant 2 : i32
      "tpu.region"() ({
        %run_scoped3A_47 = tpu.sem_alloc : memref<!tpu.dma_semaphore, #tpu.memory_space<semaphore_mem>>
        %dma_start3A = arith.constant 0 : i32
        %dma_start3A_48 = tpu.memref_slice %arg6[%run_scoped3A_40, %dma_start3A] : memref<4x80xf32, #tpu.memory_space<vmem>> -> memref<1x80xf32, #tpu.memory_space<vmem>>
        %dma_start3A_49 = tpu.memref_squeeze %dma_start3A_48 : memref<1x80xf32, #tpu.memory_space<vmem>> -> memref<80xf32, #tpu.memory_space<vmem>>
        %dma_start3A_50 = tpu.memref_slice %arg3[%add3A_39] : memref<10000xf32, #tpu.memory_space<hbm>> -> memref<80xf32, #tpu.memory_space<hbm>>
        %dma_start3A_51 = arith.constant 0 : i32
        %dma_start3A_52 = tpu.memref_slice %arg6[%run_scoped3A_40, %dma_start3A_51] : memref<4x80xf32, #tpu.memory_space<vmem>> -> memref<1x80xf32, #tpu.memory_space<vmem>>
        %dma_start3A_53 = tpu.memref_squeeze %dma_start3A_52 : memref<1x80xf32, #tpu.memory_space<vmem>> -> memref<80xf32, #tpu.memory_space<vmem>>
        %dma_start3A_54 = tpu.memref_slice %arg3[%add3A_39] : memref<10000xf32, #tpu.memory_space<hbm>> -> memref<80xf32, #tpu.memory_space<hbm>>
        tpu.enqueue_dma source(%dma_start3A_54 : memref<80xf32, #tpu.memory_space<hbm>>) target(%dma_start3A_53 : memref<80xf32, #tpu.memory_space<vmem>>) target_semaphore(%run_scoped3A_47 : memref<!tpu.dma_semaphore, #tpu.memory_space<semaphore_mem>>)
        %dma_wait3A = arith.constant 0 : i32
        %dma_wait3A_55 = tpu.memref_slice %arg6[%run_scoped3A_40, %dma_wait3A] : memref<4x80xf32, #tpu.memory_space<vmem>> -> memref<1x80xf32, #tpu.memory_space<vmem>>
        %dma_wait3A_56 = tpu.memref_squeeze %dma_wait3A_55 : memref<1x80xf32, #tpu.memory_space<vmem>> -> memref<80xf32, #tpu.memory_space<vmem>>
        %dma_wait3A_57 = tpu.memref_slice %arg3[%add3A_39] : memref<10000xf32, #tpu.memory_space<hbm>> -> memref<80xf32, #tpu.memory_space<hbm>>
        %dma_wait3A_58 = arith.constant 0 : i32
        %dma_wait3A_59 = tpu.memref_slice %arg6[%run_scoped3A_40, %dma_wait3A_58] : memref<4x80xf32, #tpu.memory_space<vmem>> -> memref<1x80xf32, #tpu.memory_space<vmem>>
        %dma_wait3A_60 = tpu.memref_squeeze %dma_wait3A_59 : memref<1x80xf32, #tpu.memory_space<vmem>> -> memref<80xf32, #tpu.memory_space<vmem>>
        %dma_wait3A_61 = tpu.memref_slice %arg3[%add3A_39] : memref<10000xf32, #tpu.memory_space<hbm>> -> memref<80xf32, #tpu.memory_space<hbm>>
        tpu.wait_dma2 semaphore(%run_scoped3A_47 : memref<!tpu.dma_semaphore, #tpu.memory_space<semaphore_mem>>) src(%dma_wait3A_61 : memref<80xf32, #tpu.memory_space<hbm>>) dst(%dma_wait3A_60 : memref<80xf32, #tpu.memory_space<vmem>>)
        tpu.yield
      }) : () -> ()
      %add3A_41 = arith.constant 240 : i32
      %add3A_42 = arith.addi %mul3A_2, %add3A_41 : i32
      %run_scoped3A_43 = arith.constant 3 : i32
      "tpu.region"() ({
        %run_scoped3A_47 = tpu.sem_alloc : memref<!tpu.dma_semaphore, #tpu.memory_space<semaphore_mem>>
        %dma_start3A = arith.constant 0 : i32
        %dma_start3A_48 = tpu.memref_slice %arg5[%run_scoped3A_43, %dma_start3A] : memref<4x80xi32, #tpu.memory_space<vmem>> -> memref<1x80xi32, #tpu.memory_space<vmem>>
        %dma_start3A_49 = tpu.memref_squeeze %dma_start3A_48 : memref<1x80xi32, #tpu.memory_space<vmem>> -> memref<80xi32, #tpu.memory_space<vmem>>
        %dma_start3A_50 = tpu.memref_slice %arg2[%add3A_42] : memref<10000xi32, #tpu.memory_space<hbm>> -> memref<80xi32, #tpu.memory_space<hbm>>
        %dma_start3A_51 = arith.constant 0 : i32
        %dma_start3A_52 = tpu.memref_slice %arg5[%run_scoped3A_43, %dma_start3A_51] : memref<4x80xi32, #tpu.memory_space<vmem>> -> memref<1x80xi32, #tpu.memory_space<vmem>>
        %dma_start3A_53 = tpu.memref_squeeze %dma_start3A_52 : memref<1x80xi32, #tpu.memory_space<vmem>> -> memref<80xi32, #tpu.memory_space<vmem>>
        %dma_start3A_54 = tpu.memref_slice %arg2[%add3A_42] : memref<10000xi32, #tpu.memory_space<hbm>> -> memref<80xi32, #tpu.memory_space<hbm>>
        tpu.enqueue_dma source(%dma_start3A_54 : memref<80xi32, #tpu.memory_space<hbm>>) target(%dma_start3A_53 : memref<80xi32, #tpu.memory_space<vmem>>) target_semaphore(%run_scoped3A_47 : memref<!tpu.dma_semaphore, #tpu.memory_space<semaphore_mem>>)
        %dma_wait3A = arith.constant 0 : i32
        %dma_wait3A_55 = tpu.memref_slice %arg5[%run_scoped3A_43, %dma_wait3A] : memref<4x80xi32, #tpu.memory_space<vmem>> -> memref<1x80xi32, #tpu.memory_space<vmem>>
        %dma_wait3A_56 = tpu.memref_squeeze %dma_wait3A_55 : memref<1x80xi32, #tpu.memory_space<vmem>> -> memref<80xi32, #tpu.memory_space<vmem>>
        %dma_wait3A_57 = tpu.memref_slice %arg2[%add3A_42] : memref<10000xi32, #tpu.memory_space<hbm>> -> memref<80xi32, #tpu.memory_space<hbm>>
        %dma_wait3A_58 = arith.constant 0 : i32
        %dma_wait3A_59 = tpu.memref_slice %arg5[%run_scoped3A_43, %dma_wait3A_58] : memref<4x80xi32, #tpu.memory_space<vmem>> -> memref<1x80xi32, #tpu.memory_space<vmem>>
        %dma_wait3A_60 = tpu.memref_squeeze %dma_wait3A_59 : memref<1x80xi32, #tpu.memory_space<vmem>> -> memref<80xi32, #tpu.memory_space<vmem>>
        %dma_wait3A_61 = tpu.memref_slice %arg2[%add3A_42] : memref<10000xi32, #tpu.memory_space<hbm>> -> memref<80xi32, #tpu.memory_space<hbm>>
        tpu.wait_dma2 semaphore(%run_scoped3A_47 : memref<!tpu.dma_semaphore, #tpu.memory_space<semaphore_mem>>) src(%dma_wait3A_61 : memref<80xi32, #tpu.memory_space<hbm>>) dst(%dma_wait3A_60 : memref<80xi32, #tpu.memory_space<vmem>>)
        tpu.yield
      }) : () -> ()
      %add3A_44 = arith.constant 240 : i32
      %add3A_45 = arith.addi %mul3A_2, %add3A_44 : i32
      %run_scoped3A_46 = arith.constant 3 : i32
      "tpu.region"() ({
        %run_scoped3A_47 = tpu.sem_alloc : memref<!tpu.dma_semaphore, #tpu.memory_space<semaphore_mem>>
        %dma_start3A = arith.constant 0 : i32
        %dma_start3A_48 = tpu.memref_slice %arg6[%run_scoped3A_46, %dma_start3A] : memref<4x80xf32, #tpu.memory_space<vmem>> -> memref<1x80xf32, #tpu.memory_space<vmem>>
        %dma_start3A_49 = tpu.memref_squeeze %dma_start3A_48 : memref<1x80xf32, #tpu.memory_space<vmem>> -> memref<80xf32, #tpu.memory_space<vmem>>
        %dma_start3A_50 = tpu.memref_slice %arg3[%add3A_45] : memref<10000xf32, #tpu.memory_space<hbm>> -> memref<80xf32, #tpu.memory_space<hbm>>
        %dma_start3A_51 = arith.constant 0 : i32
        %dma_start3A_52 = tpu.memref_slice %arg6[%run_scoped3A_46, %dma_start3A_51] : memref<4x80xf32, #tpu.memory_space<vmem>> -> memref<1x80xf32, #tpu.memory_space<vmem>>
        %dma_start3A_53 = tpu.memref_squeeze %dma_start3A_52 : memref<1x80xf32, #tpu.memory_space<vmem>> -> memref<80xf32, #tpu.memory_space<vmem>>
        %dma_start3A_54 = tpu.memref_slice %arg3[%add3A_45] : memref<10000xf32, #tpu.memory_space<hbm>> -> memref<80xf32, #tpu.memory_space<hbm>>
        tpu.enqueue_dma source(%dma_start3A_54 : memref<80xf32, #tpu.memory_space<hbm>>) target(%dma_start3A_53 : memref<80xf32, #tpu.memory_space<vmem>>) target_semaphore(%run_scoped3A_47 : memref<!tpu.dma_semaphore, #tpu.memory_space<semaphore_mem>>)
        %dma_wait3A = arith.constant 0 : i32
        %dma_wait3A_55 = tpu.memref_slice %arg6[%run_scoped3A_46, %dma_wait3A] : memref<4x80xf32, #tpu.memory_space<vmem>> -> memref<1x80xf32, #tpu.memory_space<vmem>>
        %dma_wait3A_56 = tpu.memref_squeeze %dma_wait3A_55 : memref<1x80xf32, #tpu.memory_space<vmem>> -> memref<80xf32, #tpu.memory_space<vmem>>
        %dma_wait3A_57 = tpu.memref_slice %arg3[%add3A_45] : memref<10000xf32, #tpu.memory_space<hbm>> -> memref<80xf32, #tpu.memory_space<hbm>>
        %dma_wait3A_58 = arith.constant 0 : i32
        %dma_wait3A_59 = tpu.memref_slice %arg6[%run_scoped3A_46, %dma_wait3A_58] : memref<4x80xf32, #tpu.memory_space<vmem>> -> memref<1x80xf32, #tpu.memory_space<vmem>>
        %dma_wait3A_60 = tpu.memref_squeeze %dma_wait3A_59 : memref<1x80xf32, #tpu.memory_space<vmem>> -> memref<80xf32, #tpu.memory_space<vmem>>
        %dma_wait3A_61 = tpu.memref_slice %arg3[%add3A_45] : memref<10000xf32, #tpu.memory_space<hbm>> -> memref<80xf32, #tpu.memory_space<hbm>>
        tpu.wait_dma2 semaphore(%run_scoped3A_47 : memref<!tpu.dma_semaphore, #tpu.memory_space<semaphore_mem>>) src(%dma_wait3A_61 : memref<80xf32, #tpu.memory_space<hbm>>) dst(%dma_wait3A_60 : memref<80xf32, #tpu.memory_space<vmem>>)
        tpu.yield
      }) : () -> ()
    } else {
    }
    %scan3A = arith.constant 0 : i32
    %scan3A_10 = arith.constant 0 : i32
    %scan3A_11 = arith.constant 400 : i32
    %scan3A_12 = arith.addi %scan3A_10, %scan3A_11 : i32
    %scan3A_13 = arith.constant 1 : i32
    scf.for %scan3A_29 = %scan3A_10 to %scan3A_12 step %scan3A_13  : i32 {
      %broadcast_in_dim3A = arith.constant 0.000000e+00 : f32
      %broadcast_in_dim3A_30 = vector.broadcast %broadcast_in_dim3A : f32 to vector<16xf32>
      %mul3A_31 = arith.constant 16 : i32
      %mul3A_32 = arith.muli %scan3A_29, %mul3A_31 : i32
      %swap3A = arith.index_cast %mul3A_32 : i32 to index
      %swap3A_33 = tpu.vector_load %arg7[%swap3A] {strides = array<i32>} : memref<6400xf32, #tpu.memory_space<vmem>>, vector<16xf32>,
      %swap3A_34 = vector.shape_cast %swap3A_33 : vector<16xf32> to vector<16xf32>
      %swap3A_35 = vector.shape_cast %broadcast_in_dim3A_30 : vector<16xf32> to vector<16xf32>
      tpu.vector_store %arg7[%swap3A], %swap3A_35 {strides = array<i32>} : memref<6400xf32, #tpu.memory_space<vmem>>, vector<16xf32>,
    }
    %scan3A_14 = arith.constant 400 : i32
    %mul3A_15 = arith.constant 6400 : i32
    %mul3A_16 = arith.muli %arg1, %mul3A_15 : i32
    "tpu.region"() ({
      %run_scoped3A_29 = tpu.sem_alloc : memref<!tpu.dma_semaphore, #tpu.memory_space<semaphore_mem>>
      %dma_start3A = tpu.memref_slice %arg8[%mul3A_16] : memref<102400xf32, #tpu.memory_space<vmem_shared>> -> memref<6400xf32, #tpu.memory_space<vmem_shared>>
      %dma_start3A_30 = tpu.memref_slice %arg8[%mul3A_16] : memref<102400xf32, #tpu.memory_space<vmem_shared>> -> memref<6400xf32, #tpu.memory_space<vmem_shared>>
      tpu.enqueue_dma source(%arg7 : memref<6400xf32, #tpu.memory_space<vmem>>) target(%dma_start3A_30 : memref<6400xf32, #tpu.memory_space<vmem_shared>>) target_semaphore(%run_scoped3A_29 : memref<!tpu.dma_semaphore, #tpu.memory_space<semaphore_mem>>)
      %dma_wait3A = tpu.memref_slice %arg8[%mul3A_16] : memref<102400xf32, #tpu.memory_space<vmem_shared>> -> memref<6400xf32, #tpu.memory_space<vmem_shared>>
      %dma_wait3A_31 = tpu.memref_slice %arg8[%mul3A_16] : memref<102400xf32, #tpu.memory_space<vmem_shared>> -> memref<6400xf32, #tpu.memory_space<vmem_shared>>
      tpu.wait_dma2 semaphore(%run_scoped3A_29 : memref<!tpu.dma_semaphore, #tpu.memory_space<semaphore_mem>>) src(%arg7 : memref<6400xf32, #tpu.memory_space<vmem>>) dst(%dma_wait3A_31 : memref<6400xf32, #tpu.memory_space<vmem_shared>>)
      tpu.yield
    }) : () -> ()
    %barrier3A = arith.constant 0 : index
    tpu.barrier barrier_id(%barrier3A)
    %run_scoped3A_17 = arith.constant 0 : i32
    %run_scoped3A_18 = arith.constant 0 : i32
    "tpu.region"() ({
      %run_scoped3A_29 = tpu.sem_alloc : memref<!tpu.dma_semaphore, #tpu.memory_space<semaphore_mem>>
      %dma_start3A = arith.constant 0 : i32
      %dma_start3A_30 = tpu.memref_slice %arg6[%run_scoped3A_17, %dma_start3A] : memref<4x80xf32, #tpu.memory_space<vmem>> -> memref<1x80xf32, #tpu.memory_space<vmem>>
      %dma_start3A_31 = tpu.memref_squeeze %dma_start3A_30 : memref<1x80xf32, #tpu.memory_space<vmem>> -> memref<80xf32, #tpu.memory_space<vmem>>
      %dma_start3A_32 = arith.constant 0 : i32
      %dma_start3A_33 = tpu.memref_slice %arg5[%run_scoped3A_18, %dma_start3A_32] : memref<4x80xi32, #tpu.memory_space<vmem>> -> memref<1x80xi32, #tpu.memory_space<vmem>>
      %dma_start3A_34 = tpu.memref_squeeze %dma_start3A_33 : memref<1x80xi32, #tpu.memory_space<vmem>> -> memref<80xi32, #tpu.memory_space<vmem>>
      %dma_start3A_35 = arith.constant 0 : i32
      %dma_start3A_36 = tpu.memref_slice %arg8[%dma_start3A_35] : memref<102400xf32, #tpu.memory_space<vmem_shared>> -> memref<102400xf32, #tpu.memory_space<vmem_shared>>
      tpu.enqueue_indirect_dma source(%dma_start3A_31 : memref<80xf32, #tpu.memory_space<vmem>>) target(%dma_start3A_36 : memref<102400xf32, #tpu.memory_space<vmem_shared>>) offsets(%dma_start3A_34 : memref<80xi32, #tpu.memory_space<vmem>>) semaphore(%run_scoped3A_29 : memref<!tpu.dma_semaphore, #tpu.memory_space<semaphore_mem>>) {add = true}
      %dma_wait3A = arith.constant 0 : i32
      %dma_wait3A_37 = tpu.memref_slice %arg6[%run_scoped3A_17, %dma_wait3A] : memref<4x80xf32, #tpu.memory_space<vmem>> -> memref<1x80xf32, #tpu.memory_space<vmem>>
      %dma_wait3A_38 = tpu.memref_squeeze %dma_wait3A_37 : memref<1x80xf32, #tpu.memory_space<vmem>> -> memref<80xf32, #tpu.memory_space<vmem>>
      %dma_wait3A_39 = arith.constant 0 : i32
      %dma_wait3A_40 = tpu.memref_slice %arg5[%run_scoped3A_18, %dma_wait3A_39] : memref<4x80xi32, #tpu.memory_space<vmem>> -> memref<1x80xi32, #tpu.memory_space<vmem>>
      %dma_wait3A_41 = tpu.memref_squeeze %dma_wait3A_40 : memref<1x80xi32, #tpu.memory_space<vmem>> -> memref<80xi32, #tpu.memory_space<vmem>>
      %dma_wait3A_42 = arith.constant 0 : i32
      %dma_wait3A_43 = tpu.memref_slice %arg8[%dma_wait3A_42] : memref<102400xf32, #tpu.memory_space<vmem_shared>> -> memref<102400xf32, #tpu.memory_space<vmem_shared>>
      tpu.wait_indirect_dma semaphore(%run_scoped3A_29 : memref<!tpu.dma_semaphore, #tpu.memory_space<semaphore_mem>>) src(%dma_wait3A_38 : memref<80xf32, #tpu.memory_space<vmem>>) dst(%dma_wait3A_43 : memref<102400xf32, #tpu.memory_space<vmem_shared>>)
      tpu.yield
    }) : () -> ()
    %lt3A_19 = arith.constant 31 : i32
    %lt3A_20 = arith.cmpi slt, %add3A, %lt3A_19 : i32
    %convert_element_type3A_21 = arith.extui %lt3A_20 : i1 to i32
    %cond3A_22 = arith.constant 0 : i32
    %cond3A_23 = arith.cmpi ne, %convert_element_type3A_21, %cond3A_22 : i32
    scf.if %cond3A_23 {
      %run_scoped3A_29 = arith.constant 1 : i32
      %run_scoped3A_30 = arith.constant 1 : i32
      "tpu.region"() ({
        %run_scoped3A_35 = tpu.sem_alloc : memref<!tpu.dma_semaphore, #tpu.memory_space<semaphore_mem>>
        %dma_start3A = arith.constant 0 : i32
        %dma_start3A_36 = tpu.memref_slice %arg6[%run_scoped3A_29, %dma_start3A] : memref<4x80xf32, #tpu.memory_space<vmem>> -> memref<1x80xf32, #tpu.memory_space<vmem>>
        %dma_start3A_37 = tpu.memref_squeeze %dma_start3A_36 : memref<1x80xf32, #tpu.memory_space<vmem>> -> memref<80xf32, #tpu.memory_space<vmem>>
        %dma_start3A_38 = arith.constant 0 : i32
        %dma_start3A_39 = tpu.memref_slice %arg5[%run_scoped3A_30, %dma_start3A_38] : memref<4x80xi32, #tpu.memory_space<vmem>> -> memref<1x80xi32, #tpu.memory_space<vmem>>
        %dma_start3A_40 = tpu.memref_squeeze %dma_start3A_39 : memref<1x80xi32, #tpu.memory_space<vmem>> -> memref<80xi32, #tpu.memory_space<vmem>>
        %dma_start3A_41 = arith.constant 0 : i32
        %dma_start3A_42 = tpu.memref_slice %arg8[%dma_start3A_41] : memref<102400xf32, #tpu.memory_space<vmem_shared>> -> memref<102400xf32, #tpu.memory_space<vmem_shared>>
        tpu.enqueue_indirect_dma source(%dma_start3A_37 : memref<80xf32, #tpu.memory_space<vmem>>) target(%dma_start3A_42 : memref<102400xf32, #tpu.memory_space<vmem_shared>>) offsets(%dma_start3A_40 : memref<80xi32, #tpu.memory_space<vmem>>) semaphore(%run_scoped3A_35 : memref<!tpu.dma_semaphore, #tpu.memory_space<semaphore_mem>>) {add = true}
        %dma_wait3A = arith.constant 0 : i32
        %dma_wait3A_43 = tpu.memref_slice %arg6[%run_scoped3A_29, %dma_wait3A] : memref<4x80xf32, #tpu.memory_space<vmem>> -> memref<1x80xf32, #tpu.memory_space<vmem>>
        %dma_wait3A_44 = tpu.memref_squeeze %dma_wait3A_43 : memref<1x80xf32, #tpu.memory_space<vmem>> -> memref<80xf32, #tpu.memory_space<vmem>>
        %dma_wait3A_45 = arith.constant 0 : i32
        %dma_wait3A_46 = tpu.memref_slice %arg5[%run_scoped3A_30, %dma_wait3A_45] : memref<4x80xi32, #tpu.memory_space<vmem>> -> memref<1x80xi32, #tpu.memory_space<vmem>>
        %dma_wait3A_47 = tpu.memref_squeeze %dma_wait3A_46 : memref<1x80xi32, #tpu.memory_space<vmem>> -> memref<80xi32, #tpu.memory_space<vmem>>
        %dma_wait3A_48 = arith.constant 0 : i32
        %dma_wait3A_49 = tpu.memref_slice %arg8[%dma_wait3A_48] : memref<102400xf32, #tpu.memory_space<vmem_shared>> -> memref<102400xf32, #tpu.memory_space<vmem_shared>>
        tpu.wait_indirect_dma semaphore(%run_scoped3A_35 : memref<!tpu.dma_semaphore, #tpu.memory_space<semaphore_mem>>) src(%dma_wait3A_44 : memref<80xf32, #tpu.memory_space<vmem>>) dst(%dma_wait3A_49 : memref<102400xf32, #tpu.memory_space<vmem_shared>>)
        tpu.yield
      }) : () -> ()
      %run_scoped3A_31 = arith.constant 2 : i32
      %run_scoped3A_32 = arith.constant 2 : i32
      "tpu.region"() ({
        %run_scoped3A_35 = tpu.sem_alloc : memref<!tpu.dma_semaphore, #tpu.memory_space<semaphore_mem>>
        %dma_start3A = arith.constant 0 : i32
        %dma_start3A_36 = tpu.memref_slice %arg6[%run_scoped3A_31, %dma_start3A] : memref<4x80xf32, #tpu.memory_space<vmem>> -> memref<1x80xf32, #tpu.memory_space<vmem>>
        %dma_start3A_37 = tpu.memref_squeeze %dma_start3A_36 : memref<1x80xf32, #tpu.memory_space<vmem>> -> memref<80xf32, #tpu.memory_space<vmem>>
        %dma_start3A_38 = arith.constant 0 : i32
        %dma_start3A_39 = tpu.memref_slice %arg5[%run_scoped3A_32, %dma_start3A_38] : memref<4x80xi32, #tpu.memory_space<vmem>> -> memref<1x80xi32, #tpu.memory_space<vmem>>
        %dma_start3A_40 = tpu.memref_squeeze %dma_start3A_39 : memref<1x80xi32, #tpu.memory_space<vmem>> -> memref<80xi32, #tpu.memory_space<vmem>>
        %dma_start3A_41 = arith.constant 0 : i32
        %dma_start3A_42 = tpu.memref_slice %arg8[%dma_start3A_41] : memref<102400xf32, #tpu.memory_space<vmem_shared>> -> memref<102400xf32, #tpu.memory_space<vmem_shared>>
        tpu.enqueue_indirect_dma source(%dma_start3A_37 : memref<80xf32, #tpu.memory_space<vmem>>) target(%dma_start3A_42 : memref<102400xf32, #tpu.memory_space<vmem_shared>>) offsets(%dma_start3A_40 : memref<80xi32, #tpu.memory_space<vmem>>) semaphore(%run_scoped3A_35 : memref<!tpu.dma_semaphore, #tpu.memory_space<semaphore_mem>>) {add = true}
        %dma_wait3A = arith.constant 0 : i32
        %dma_wait3A_43 = tpu.memref_slice %arg6[%run_scoped3A_31, %dma_wait3A] : memref<4x80xf32, #tpu.memory_space<vmem>> -> memref<1x80xf32, #tpu.memory_space<vmem>>
        %dma_wait3A_44 = tpu.memref_squeeze %dma_wait3A_43 : memref<1x80xf32, #tpu.memory_space<vmem>> -> memref<80xf32, #tpu.memory_space<vmem>>
        %dma_wait3A_45 = arith.constant 0 : i32
        %dma_wait3A_46 = tpu.memref_slice %arg5[%run_scoped3A_32, %dma_wait3A_45] : memref<4x80xi32, #tpu.memory_space<vmem>> -> memref<1x80xi32, #tpu.memory_space<vmem>>
        %dma_wait3A_47 = tpu.memref_squeeze %dma_wait3A_46 : memref<1x80xi32, #tpu.memory_space<vmem>> -> memref<80xi32, #tpu.memory_space<vmem>>
        %dma_wait3A_48 = arith.constant 0 : i32
        %dma_wait3A_49 = tpu.memref_slice %arg8[%dma_wait3A_48] : memref<102400xf32, #tpu.memory_space<vmem_shared>> -> memref<102400xf32, #tpu.memory_space<vmem_shared>>
        tpu.wait_indirect_dma semaphore(%run_scoped3A_35 : memref<!tpu.dma_semaphore, #tpu.memory_space<semaphore_mem>>) src(%dma_wait3A_44 : memref<80xf32, #tpu.memory_space<vmem>>) dst(%dma_wait3A_49 : memref<102400xf32, #tpu.memory_space<vmem_shared>>)
        tpu.yield
      }) : () -> ()
      %run_scoped3A_33 = arith.constant 3 : i32
      %run_scoped3A_34 = arith.constant 3 : i32
      "tpu.region"() ({
        %run_scoped3A_35 = tpu.sem_alloc : memref<!tpu.dma_semaphore, #tpu.memory_space<semaphore_mem>>
        %dma_start3A = arith.constant 0 : i32
        %dma_start3A_36 = tpu.memref_slice %arg6[%run_scoped3A_33, %dma_start3A] : memref<4x80xf32, #tpu.memory_space<vmem>> -> memref<1x80xf32, #tpu.memory_space<vmem>>
        %dma_start3A_37 = tpu.memref_squeeze %dma_start3A_36 : memref<1x80xf32, #tpu.memory_space<vmem>> -> memref<80xf32, #tpu.memory_space<vmem>>
        %dma_start3A_38 = arith.constant 0 : i32
        %dma_start3A_39 = tpu.memref_slice %arg5[%run_scoped3A_34, %dma_start3A_38] : memref<4x80xi32, #tpu.memory_space<vmem>> -> memref<1x80xi32, #tpu.memory_space<vmem>>
        %dma_start3A_40 = tpu.memref_squeeze %dma_start3A_39 : memref<1x80xi32, #tpu.memory_space<vmem>> -> memref<80xi32, #tpu.memory_space<vmem>>
        %dma_start3A_41 = arith.constant 0 : i32
        %dma_start3A_42 = tpu.memref_slice %arg8[%dma_start3A_41] : memref<102400xf32, #tpu.memory_space<vmem_shared>> -> memref<102400xf32, #tpu.memory_space<vmem_shared>>
        tpu.enqueue_indirect_dma source(%dma_start3A_37 : memref<80xf32, #tpu.memory_space<vmem>>) target(%dma_start3A_42 : memref<102400xf32, #tpu.memory_space<vmem_shared>>) offsets(%dma_start3A_40 : memref<80xi32, #tpu.memory_space<vmem>>) semaphore(%run_scoped3A_35 : memref<!tpu.dma_semaphore, #tpu.memory_space<semaphore_mem>>) {add = true}
        %dma_wait3A = arith.constant 0 : i32
        %dma_wait3A_43 = tpu.memref_slice %arg6[%run_scoped3A_33, %dma_wait3A] : memref<4x80xf32, #tpu.memory_space<vmem>> -> memref<1x80xf32, #tpu.memory_space<vmem>>
        %dma_wait3A_44 = tpu.memref_squeeze %dma_wait3A_43 : memref<1x80xf32, #tpu.memory_space<vmem>> -> memref<80xf32, #tpu.memory_space<vmem>>
        %dma_wait3A_45 = arith.constant 0 : i32
        %dma_wait3A_46 = tpu.memref_slice %arg5[%run_scoped3A_34, %dma_wait3A_45] : memref<4x80xi32, #tpu.memory_space<vmem>> -> memref<1x80xi32, #tpu.memory_space<vmem>>
        %dma_wait3A_47 = tpu.memref_squeeze %dma_wait3A_46 : memref<1x80xi32, #tpu.memory_space<vmem>> -> memref<80xi32, #tpu.memory_space<vmem>>
        %dma_wait3A_48 = arith.constant 0 : i32
        %dma_wait3A_49 = tpu.memref_slice %arg8[%dma_wait3A_48] : memref<102400xf32, #tpu.memory_space<vmem_shared>> -> memref<102400xf32, #tpu.memory_space<vmem_shared>>
        tpu.wait_indirect_dma semaphore(%run_scoped3A_35 : memref<!tpu.dma_semaphore, #tpu.memory_space<semaphore_mem>>) src(%dma_wait3A_44 : memref<80xf32, #tpu.memory_space<vmem>>) dst(%dma_wait3A_49 : memref<102400xf32, #tpu.memory_space<vmem_shared>>)
        tpu.yield
      }) : () -> ()
    } else {
    }
    %barrier3A_24 = arith.constant 0 : index
    tpu.barrier barrier_id(%barrier3A_24)
    %mul3A_25 = arith.constant 6400 : i32
    %mul3A_26 = arith.muli %arg1, %mul3A_25 : i32
    %mul3A_27 = arith.constant 6400 : i32
    %mul3A_28 = arith.muli %arg1, %mul3A_27 : i32
    "tpu.region"() ({
      %run_scoped3A_29 = tpu.sem_alloc : memref<!tpu.dma_semaphore, #tpu.memory_space<semaphore_mem>>
      %dma_start3A = tpu.memref_slice %arg4[%arg0, %mul3A_28] : memref<2x102400xf32, #tpu.memory_space<hbm>> -> memref<1x6400xf32, #tpu.memory_space<hbm>>
      %dma_start3A_30 = tpu.memref_squeeze %dma_start3A : memref<1x6400xf32, #tpu.memory_space<hbm>> -> memref<6400xf32, #tpu.memory_space<hbm>>
      %dma_start3A_31 = tpu.memref_slice %arg8[%mul3A_26] : memref<102400xf32, #tpu.memory_space<vmem_shared>> -> memref<6400xf32, #tpu.memory_space<vmem_shared>>
      tpu.enqueue_dma source(%dma_start3A_31 : memref<6400xf32, #tpu.memory_space<vmem_shared>>) target(%dma_start3A_30 : memref<6400xf32, #tpu.memory_space<hbm>>) target_semaphore(%run_scoped3A_29 : memref<!tpu.dma_semaphore, #tpu.memory_space<semaphore_mem>>)
      %dma_wait3A = tpu.memref_slice %arg4[%arg0, %mul3A_28] : memref<2x102400xf32, #tpu.memory_space<hbm>> -> memref<1x6400xf32, #tpu.memory_space<hbm>>
      %dma_wait3A_32 = tpu.memref_squeeze %dma_wait3A : memref<1x6400xf32, #tpu.memory_space<hbm>> -> memref<6400xf32, #tpu.memory_space<hbm>>
      %dma_wait3A_33 = tpu.memref_slice %arg8[%mul3A_26] : memref<102400xf32, #tpu.memory_space<vmem_shared>> -> memref<6400xf32, #tpu.memory_space<vmem_shared>>
      tpu.wait_dma2 semaphore(%run_scoped3A_29 : memref<!tpu.dma_semaphore, #tpu.memory_space<semaphore_mem>>) src(%dma_wait3A_33 : memref<6400xf32, #tpu.memory_space<vmem_shared>>) dst(%dma_wait3A_32 : memref<6400xf32, #tpu.memory_space<hbm>>)
      tpu.yield
    }) : () -> ()
    return
  }
}

module attributes {stable_mosaic.version = 14 : i64} {
  func.func @_bag_body(%arg0: i32, %arg1: memref<2x12800xf32, #tpu.memory_space<vmem>>, %arg2: memref<300x12800xf32, #tpu.memory_space<vmem>>, %arg3: memref<1x300xf32, #tpu.memory_space<vmem>>) attributes {dimension_semantics = [#tpu.dimension_semantics<arbitrary>], iteration_bounds = array<i64: 8>, scalar_prefetch = 0 : i64, scratch_operands = 0 : i64, tpu.core_type = #tpu.core_type<tc>, window_params = [{transform_indices = @transform_0, window_bounds = array<i64: 2, 12800>}, {transform_indices = @transform_1, window_bounds = array<i64: 300, 12800>}, {pipeline_mode = #tpu.pipeline_mode<synchronous>, transform_indices = @transform_2, window_bounds = array<i64: 1, 300>}]} {
    %get3A = arith.constant 0 : index
    %get3A_0 = arith.constant 0 : index
    %get3A_1 = vector.load %arg1[%get3A, %get3A_0] : memref<2x12800xf32, #tpu.memory_space<vmem>>, vector<1x12800xf32>
    %get3A_2 = arith.constant 1 : index
    %get3A_3 = arith.constant 0 : index
    %get3A_4 = vector.load %arg1[%get3A_2, %get3A_3] : memref<2x12800xf32, #tpu.memory_space<vmem>>, vector<1x12800xf32>
    %add3A = arith.addf %get3A_1, %get3A_4 : vector<1x12800xf32>
    %eq3A = arith.constant 7 : i32
    %eq3A_5 = arith.cmpi eq, %arg0, %eq3A : i32
    %convert_element_type3A = arith.extui %eq3A_5 : i1 to i32
    %cond3A = arith.constant 0 : i32
    %cond3A_6 = arith.cmpi ne, %convert_element_type3A, %cond3A : i32
    scf.if %cond3A_6 {
      %iota3A = tpu.iota {dimensions = array<i32: 1>} : vector<300x12800xi32>
      %lt3A = arith.constant 10400 : i32
      %lt3A_20 = vector.broadcast %lt3A : i32 to vector<300x12800xi32>
      %lt3A_21 = arith.cmpi slt, %iota3A, %lt3A_20 : vector<300x12800xi32>
      %get3A_22 = arith.constant 0 : index
      %get3A_23 = arith.constant 0 : index
      %get3A_24 = vector.load %arg2[%get3A_22, %get3A_23] : memref<300x12800xf32, #tpu.memory_space<vmem>>, vector<300x12800xf32>
      %jit3A = arith.constant 0.000000e+00 : f32
      %broadcast_in_dim3A = vector.broadcast %jit3A : f32 to vector<300x12800xf32>
      %select_n3A = arith.select %lt3A_21, %get3A_24, %broadcast_in_dim3A : vector<300x12800xi1>, vector<300x12800xf32>
      %swap3A = arith.constant 0 : index
      %swap3A_25 = arith.constant 0 : index
      %swap3A_26 = vector.load %arg2[%swap3A, %swap3A_25] : memref<300x12800xf32, #tpu.memory_space<vmem>>, vector<300x12800xf32>
      tpu.vector_store %arg2[%swap3A, %swap3A_25], %select_n3A {strides = array<i32>} : memref<300x12800xf32, #tpu.memory_space<vmem>>, vector<300x12800xf32>,
    } else {
    }
    %get3A_7 = arith.constant 0 : index
    %get3A_8 = arith.constant 0 : index
    %get3A_9 = vector.load %arg2[%get3A_7, %get3A_8] : memref<300x12800xf32, #tpu.memory_space<vmem>>, vector<300x12800xf32>
    %dot_general3A = arith.constant dense<0.000000e+00> : vector<1x300xf32>
    %dot_general3A_10 = tpu.matmul %add3A, %get3A_9, %dot_general3A {dimension_numbers = #tpu.dot_dimension_numbers<[1], [1], [0], [0], [0, 0, 1, 0], [], []>, transpose_lhs_hint = false} : vector<1x12800xf32>, vector<300x12800xf32>, vector<1x300xf32> -> vector<1x300xf32>
    %eq3A_11 = arith.constant 0 : i32
    %eq3A_12 = arith.cmpi eq, %arg0, %eq3A_11 : i32
    %convert_element_type3A_13 = arith.extui %eq3A_12 : i1 to i32
    %cond3A_14 = arith.constant 0 : i32
    %cond3A_15 = arith.cmpi ne, %convert_element_type3A_13, %cond3A_14 : i32
    scf.if %cond3A_15 {
      %swap3A = arith.constant 0 : index
      %swap3A_20 = arith.constant 0 : index
      %swap3A_21 = vector.load %arg3[%swap3A, %swap3A_20] : memref<1x300xf32, #tpu.memory_space<vmem>>, vector<1x300xf32>
      tpu.vector_store %arg3[%swap3A, %swap3A_20], %dot_general3A_10 {strides = array<i32>} : memref<1x300xf32, #tpu.memory_space<vmem>>, vector<1x300xf32>,
    } else {
    }
    %gt3A = arith.constant 0 : i32
    %gt3A_16 = arith.cmpi sgt, %arg0, %gt3A : i32
    %convert_element_type3A_17 = arith.extui %gt3A_16 : i1 to i32
    %cond3A_18 = arith.constant 0 : i32
    %cond3A_19 = arith.cmpi ne, %convert_element_type3A_17, %cond3A_18 : i32
    scf.if %cond3A_19 {
      %get3A_20 = arith.constant 0 : index
      %get3A_21 = arith.constant 0 : index
      %get3A_22 = vector.load %arg3[%get3A_20, %get3A_21] : memref<1x300xf32, #tpu.memory_space<vmem>>, vector<1x300xf32>
      %add3A_23 = arith.addf %get3A_22, %dot_general3A_10 : vector<1x300xf32>
      %swap3A = arith.constant 0 : index
      %swap3A_24 = arith.constant 0 : index
      %swap3A_25 = vector.load %arg3[%swap3A, %swap3A_24] : memref<1x300xf32, #tpu.memory_space<vmem>>, vector<1x300xf32>
      tpu.vector_store %arg3[%swap3A, %swap3A_24], %add3A_23 {strides = array<i32>} : memref<1x300xf32, #tpu.memory_space<vmem>>, vector<1x300xf32>,
    } else {
    }
    return
  }
  func.func @transform_0(%arg0: i32) -> (i32, i32) {
    %c0_i32 = arith.constant 0 : i32
    %c0_i32_0 = arith.constant 0 : i32
    return %c0_i32, %arg0 : i32, i32
  }
  func.func @transform_1(%arg0: i32) -> (i32, i32) {
    %c0_i32 = arith.constant 0 : i32
    %c0_i32_0 = arith.constant 0 : i32
    return %c0_i32, %arg0 : i32, i32
  }
  func.func @transform_2(%arg0: i32) -> (i32, i32) {
    %c0_i32 = arith.constant 0 : i32
    %c0_i32_0 = arith.constant 0 : i32
    %c0_i32_1 = arith.constant 0 : i32
    return %c0_i32, %c0_i32_0 : i32, i32
  }
}

module attributes {stable_mosaic.version = 14 : i64} {
  func.func @_mlp_body(%arg0: i32, %arg1: memref<256xf32, #tpu.memory_space<vmem>>, %arg2: memref<10000xf32, #tpu.memory_space<vmem>>, %arg3: memref<1024x2048xf32, #tpu.memory_space<vmem>>, %arg4: memref<16x2048xf32, #tpu.memory_space<vmem>>, %arg5: memref<2048xf32, #tpu.memory_space<vmem>>, %arg6: memref<2048xf32, #tpu.memory_space<vmem>>, %arg7: memref<2048xf32, #tpu.memory_space<vmem>>, %arg8: memref<2048xf32, #tpu.memory_space<vmem>>, %arg9: memref<1xf32, #tpu.memory_space<vmem>>, %arg10: memref<1x1xf32, #tpu.memory_space<vmem>>, %arg11: memref<1x10256xf32, #tpu.memory_space<vmem>>, %arg12: memref<1x2048xf32, #tpu.memory_space<vmem>>) attributes {dimension_semantics = [#tpu.dimension_semantics<arbitrary>], iteration_bounds = array<i64: 10>, scalar_prefetch = 0 : i64, scratch_operands = 2 : i64, tpu.core_type = #tpu.core_type<tc>, window_params = [{pipeline_mode = #tpu.pipeline_mode<synchronous>, transform_indices = @transform_0, window_bounds = array<i64: 256>}, {pipeline_mode = #tpu.pipeline_mode<synchronous>, transform_indices = @transform_1, window_bounds = array<i64: 10000>}, {transform_indices = @transform_2, window_bounds = array<i64: 1024, 2048>}, {transform_indices = @transform_3, window_bounds = array<i64: 16, 2048>}, {pipeline_mode = #tpu.pipeline_mode<synchronous>, transform_indices = @transform_4, window_bounds = array<i64: 2048>}, {pipeline_mode = #tpu.pipeline_mode<synchronous>, transform_indices = @transform_5, window_bounds = array<i64: 2048>}, {pipeline_mode = #tpu.pipeline_mode<synchronous>, transform_indices = @transform_6, window_bounds = array<i64: 2048>}, {pipeline_mode = #tpu.pipeline_mode<synchronous>, transform_indices = @transform_7, window_bounds = array<i64: 2048>}, {pipeline_mode = #tpu.pipeline_mode<synchronous>, transform_indices = @transform_8, window_bounds = array<i64: 1>}, {pipeline_mode = #tpu.pipeline_mode<synchronous>, transform_indices = @transform_9, window_bounds = array<i64: 1, 1>}]} {
    %eq3A = arith.constant 0 : i32
    %eq3A_0 = arith.cmpi eq, %arg0, %eq3A : i32
    %convert_element_type3A = arith.extui %eq3A_0 : i1 to i32
    %cond3A = arith.constant 0 : i32
    %cond3A_1 = arith.cmpi ne, %convert_element_type3A, %cond3A : i32
    scf.if %cond3A_1 {
      %get3A_23 = arith.constant 0 : index
      %get3A_24 = vector.load %arg1[%get3A_23] : memref<256xf32, #tpu.memory_space<vmem>>, vector<256xf32>
      %broadcast_in_dim3A = vector.shape_cast %get3A_24 : vector<256xf32> to vector<1x256xf32>
      %swap3A = arith.constant 0 : index
      %swap3A_25 = arith.constant 0 : index
      %swap3A_26 = vector.load %arg11[%swap3A, %swap3A_25] : memref<1x10256xf32, #tpu.memory_space<vmem>>, vector<1x256xf32>
      tpu.vector_store %arg11[%swap3A, %swap3A_25], %broadcast_in_dim3A {strides = array<i32>} : memref<1x10256xf32, #tpu.memory_space<vmem>>, vector<1x256xf32>,
      %get3A_27 = arith.constant 0 : index
      %get3A_28 = vector.load %arg2[%get3A_27] : memref<10000xf32, #tpu.memory_space<vmem>>, vector<10000xf32>
      %broadcast_in_dim3A_29 = vector.shape_cast %get3A_28 : vector<10000xf32> to vector<1x10000xf32>
      %swap3A_30 = arith.constant 0 : index
      %swap3A_31 = arith.constant 256 : index
      %swap3A_32 = vector.load %arg11[%swap3A_30, %swap3A_31] : memref<1x10256xf32, #tpu.memory_space<vmem>>, vector<1x10000xf32>
      tpu.vector_store %arg11[%swap3A_30, %swap3A_31], %broadcast_in_dim3A_29 {strides = array<i32>} : memref<1x10256xf32, #tpu.memory_space<vmem>>, vector<1x10000xf32>,
    } else {
    }
    %mul3A = arith.constant 1024 : i32
    %mul3A_2 = arith.muli %arg0, %mul3A : i32
    %get3A = arith.constant 0 : index
    %get3A_3 = arith.index_cast %mul3A_2 : i32 to index
    %get3A_4 = vector.load %arg11[%get3A, %get3A_3] : memref<1x10256xf32, #tpu.memory_space<vmem>>, vector<1x1024xf32>
    %get3A_5 = arith.constant 0 : index
    %get3A_6 = arith.constant 0 : index
    %get3A_7 = vector.load %arg3[%get3A_5, %get3A_6] : memref<1024x2048xf32, #tpu.memory_space<vmem>>, vector<1024x2048xf32>
    %dot_general3A = arith.constant dense<0.000000e+00> : vector<1x2048xf32>
    %dot_general3A_8 = tpu.matmul %get3A_4, %get3A_7, %dot_general3A {dimension_numbers = #tpu.dot_dimension_numbers<[1], [0], [0], [1], [0, 0, 1, 1], [], []>, transpose_lhs_hint = false} : vector<1x1024xf32>, vector<1024x2048xf32>, vector<1x2048xf32> -> vector<1x2048xf32>
    %eq3A_9 = arith.constant 0 : i32
    %eq3A_10 = arith.cmpi eq, %arg0, %eq3A_9 : i32
    %convert_element_type3A_11 = arith.extui %eq3A_10 : i1 to i32
    %cond3A_12 = arith.constant 0 : i32
    %cond3A_13 = arith.cmpi ne, %convert_element_type3A_11, %cond3A_12 : i32
    scf.if %cond3A_13 {
      %swap3A = arith.constant 0 : index
      %swap3A_23 = arith.constant 0 : index
      %swap3A_24 = vector.load %arg12[%swap3A, %swap3A_23] : memref<1x2048xf32, #tpu.memory_space<vmem>>, vector<1x2048xf32>
      tpu.vector_store %arg12[%swap3A, %swap3A_23], %dot_general3A_8 {strides = array<i32>} : memref<1x2048xf32, #tpu.memory_space<vmem>>, vector<1x2048xf32>,
    } else {
    }
    %gt3A = arith.constant 0 : i32
    %gt3A_14 = arith.cmpi sgt, %arg0, %gt3A : i32
    %convert_element_type3A_15 = arith.extui %gt3A_14 : i1 to i32
    %cond3A_16 = arith.constant 0 : i32
    %cond3A_17 = arith.cmpi ne, %convert_element_type3A_15, %cond3A_16 : i32
    scf.if %cond3A_17 {
      %get3A_23 = arith.constant 0 : index
      %get3A_24 = arith.constant 0 : index
      %get3A_25 = vector.load %arg12[%get3A_23, %get3A_24] : memref<1x2048xf32, #tpu.memory_space<vmem>>, vector<1x2048xf32>
      %add3A = arith.addf %get3A_25, %dot_general3A_8 : vector<1x2048xf32>
      %swap3A = arith.constant 0 : index
      %swap3A_26 = arith.constant 0 : index
      %swap3A_27 = vector.load %arg12[%swap3A, %swap3A_26] : memref<1x2048xf32, #tpu.memory_space<vmem>>, vector<1x2048xf32>
      tpu.vector_store %arg12[%swap3A, %swap3A_26], %add3A {strides = array<i32>} : memref<1x2048xf32, #tpu.memory_space<vmem>>, vector<1x2048xf32>,
    } else {
    }
    %eq3A_18 = arith.constant 9 : i32
    %eq3A_19 = arith.cmpi eq, %arg0, %eq3A_18 : i32
    %convert_element_type3A_20 = arith.extui %eq3A_19 : i1 to i32
    %cond3A_21 = arith.constant 0 : i32
    %cond3A_22 = arith.cmpi ne, %convert_element_type3A_20, %cond3A_21 : i32
    scf.if %cond3A_22 {
      %get3A_23 = arith.constant 0 : index
      %get3A_24 = arith.constant 10240 : index
      %get3A_25 = vector.load %arg11[%get3A_23, %get3A_24] : memref<1x10256xf32, #tpu.memory_space<vmem>>, vector<1x16xf32>
      %get3A_26 = arith.constant 0 : index
      %get3A_27 = arith.constant 0 : index
      %get3A_28 = vector.load %arg4[%get3A_26, %get3A_27] : memref<16x2048xf32, #tpu.memory_space<vmem>>, vector<16x2048xf32>
      %dot_general3A_29 = arith.constant dense<0.000000e+00> : vector<1x2048xf32>
      %dot_general3A_30 = tpu.matmul %get3A_25, %get3A_28, %dot_general3A_29 {dimension_numbers = #tpu.dot_dimension_numbers<[1], [0], [0], [1], [0, 0, 1, 1], [], []>, transpose_lhs_hint = false} : vector<1x16xf32>, vector<16x2048xf32>, vector<1x2048xf32> -> vector<1x2048xf32>
      %get3A_31 = arith.constant 0 : index
      %get3A_32 = arith.constant 0 : index
      %get3A_33 = vector.load %arg12[%get3A_31, %get3A_32] : memref<1x2048xf32, #tpu.memory_space<vmem>>, vector<1x2048xf32>
      %add3A = arith.addf %get3A_33, %dot_general3A_30 : vector<1x2048xf32>
      %get3A_34 = arith.constant 0 : index
      %get3A_35 = vector.load %arg5[%get3A_34] : memref<2048xf32, #tpu.memory_space<vmem>>, vector<2048xf32>
      %broadcast_in_dim3A = vector.shape_cast %get3A_35 : vector<2048xf32> to vector<1x2048xf32>
      %mul3A_36 = arith.constant 0.999994993 : f32
      %mul3A_37 = vector.broadcast %mul3A_36 : f32 to vector<1x2048xf32>
      %mul3A_38 = arith.mulf %broadcast_in_dim3A, %mul3A_37 : vector<1x2048xf32>
      %get3A_39 = arith.constant 0 : index
      %get3A_40 = vector.load %arg7[%get3A_39] : memref<2048xf32, #tpu.memory_space<vmem>>, vector<2048xf32>
      %broadcast_in_dim3A_41 = vector.shape_cast %get3A_40 : vector<2048xf32> to vector<1x2048xf32>
      %add3A_42 = arith.addf %add3A, %broadcast_in_dim3A_41 : vector<1x2048xf32>
      %mul3A_43 = arith.mulf %add3A_42, %mul3A_38 : vector<1x2048xf32>
      %get3A_44 = arith.constant 0 : index
      %get3A_45 = vector.load %arg6[%get3A_44] : memref<2048xf32, #tpu.memory_space<vmem>>, vector<2048xf32>
      %broadcast_in_dim3A_46 = vector.shape_cast %get3A_45 : vector<2048xf32> to vector<1x2048xf32>
      %add3A_47 = arith.addf %mul3A_43, %broadcast_in_dim3A_46 : vector<1x2048xf32>
      %gt3A_48 = arith.constant 0.000000e+00 : f32
      %gt3A_49 = vector.broadcast %gt3A_48 : f32 to vector<1x2048xf32>
      %gt3A_50 = arith.cmpf ogt, %add3A_47, %gt3A_49 : vector<1x2048xf32>
      %mul3A_51 = arith.constant 0.00999999977 : f32
      %mul3A_52 = vector.broadcast %mul3A_51 : f32 to vector<1x2048xf32>
      %mul3A_53 = arith.mulf %mul3A_52, %add3A_47 : vector<1x2048xf32>
      %select_n3A = arith.select %gt3A_50, %add3A_47, %mul3A_53 : vector<1x2048xi1>, vector<1x2048xf32>
      %get3A_54 = arith.constant 0 : index
      %get3A_55 = vector.load %arg9[%get3A_54] : memref<1xf32, #tpu.memory_space<vmem>>, vector<1xf32>
      %broadcast_in_dim3A_56 = vector.shape_cast %get3A_55 : vector<1xf32> to vector<1x1xf32>
      %get3A_57 = arith.constant 0 : index
      %get3A_58 = vector.load %arg8[%get3A_57] : memref<2048xf32, #tpu.memory_space<vmem>>, vector<2048xf32>
      %broadcast_in_dim3A_59 = vector.shape_cast %get3A_58 : vector<2048xf32> to vector<1x2048xf32>
      %mul3A_60 = arith.mulf %select_n3A, %broadcast_in_dim3A_59 : vector<1x2048xf32>
      %reduce_sum3A = arith.constant dense<0.000000e+00> : vector<1xf32>
      %reduce_sum3A_61 = vector.multi_reduction <add>, %mul3A_60, %reduce_sum3A [1] : vector<1x2048xf32> to vector<1xf32>
      %broadcast_in_dim3A_62 = vector.shape_cast %reduce_sum3A_61 : vector<1xf32> to vector<1x1xf32>
      %add3A_63 = arith.addf %broadcast_in_dim3A_56, %broadcast_in_dim3A_62 : vector<1x1xf32>
      %swap3A = arith.constant 0 : index
      %swap3A_64 = arith.constant 0 : index
      %swap3A_65 = vector.load %arg10[%swap3A, %swap3A_64] : memref<1x1xf32, #tpu.memory_space<vmem>>, vector<1x1xf32>
      tpu.vector_store %arg10[%swap3A, %swap3A_64], %add3A_63 {strides = array<i32>} : memref<1x1xf32, #tpu.memory_space<vmem>>, vector<1x1xf32>,
    } else {
    }
    return
  }
  func.func @transform_0(%arg0: i32) -> i32 {
    %c0_i32 = arith.constant 0 : i32
    %c0_i32_0 = arith.constant 0 : i32
    return %c0_i32 : i32
  }
  func.func @transform_1(%arg0: i32) -> i32 {
    %c0_i32 = arith.constant 0 : i32
    %c0_i32_0 = arith.constant 0 : i32
    return %c0_i32 : i32
  }
  func.func @transform_2(%arg0: i32) -> (i32, i32) {
    %c0_i32 = arith.constant 0 : i32
    %c0_i32_0 = arith.constant 0 : i32
    return %arg0, %c0_i32 : i32, i32
  }
  func.func @transform_3(%arg0: i32) -> (i32, i32) {
    %c640_i32 = arith.constant 640 : i32
    %c0_i32 = arith.constant 0 : i32
    %c0_i32_0 = arith.constant 0 : i32
    return %c640_i32, %c0_i32 : i32, i32
  }
  func.func @transform_4(%arg0: i32) -> i32 {
    %c0_i32 = arith.constant 0 : i32
    %c0_i32_0 = arith.constant 0 : i32
    return %c0_i32 : i32
  }
  func.func @transform_5(%arg0: i32) -> i32 {
    %c0_i32 = arith.constant 0 : i32
    %c0_i32_0 = arith.constant 0 : i32
    return %c0_i32 : i32
  }
  func.func @transform_6(%arg0: i32) -> i32 {
    %c0_i32 = arith.constant 0 : i32
    %c0_i32_0 = arith.constant 0 : i32
    return %c0_i32 : i32
  }
  func.func @transform_7(%arg0: i32) -> i32 {
    %c0_i32 = arith.constant 0 : i32
    %c0_i32_0 = arith.constant 0 : i32
    return %c0_i32 : i32
  }
  func.func @transform_8(%arg0: i32) -> i32 {
    %c0_i32 = arith.constant 0 : i32
    %c0_i32_0 = arith.constant 0 : i32
    return %c0_i32 : i32
  }
  func.func @transform_9(%arg0: i32) -> (i32, i32) {
    %c0_i32 = arith.constant 0 : i32
    %c0_i32_0 = arith.constant 0 : i32
    %c0_i32_1 = arith.constant 0 : i32
    return %c0_i32, %c0_i32_0 : i32, i32
  }
}

</mosaic_0001>

<sc_bundles>
// kernel: kernel.5.cloned.1.call-start
scs
__scs_entry_jumppad:
0x0: {  	(pc) =	sbr.rel $0x88, $3  }
0x1: {  	(tag) =	ssettag $0x0;
	lr =	simm.s32 $0x1  }
0x2: {  	[smem:$0x3F97] =	sst lr;
	_ =	strace $0xD0000000  }
0x3: {  	_ = 	snop  }
0x4: {  	_ = 	snop  }
0x5: {  	_ = 	snop  }
0x6: {  	_ = 	snop  }
0x7: {  	_ = 	snop  }
__scs_overlays_trampoline_lowered:
0x8: {  	[smem:$0x3FA6] =	sst s0  }
0x9: {  	[smem:$0x3FA7] =	sst s1  }
0xa: {  	[smem:$0x3FA8] =	sst s2  }
0xb: {  	[smem:$0x3FA9] =	sst s3  }
0xc: {  	[smem:$0x3FAA] =	sst s4  }
0xd: {  	[smem:$0x3FAB] =	sst s5  }
0xe: {  	[smem:$0x3FAC] =	sst s6  }
0xf: {  	[smem:$0x3FAD] =	sst s7  }
0x10: {  	[smem:$0x3FAE] =	sst s8  }
0x11: {  	[smem:$0x3FAF] =	sst s9;
	s0 =	simm.s32 @!p0 $0x0  }
0x12: {  	s1 =	sld [smem:$0x3F95];
	s0 =	simm.s32 @p0 $0x1  }
0x13: {  	[smem:$0x3FB0] =	sst s0;
	s0 =	simm.s32 @!p1 $0x0  }
0x14: {  	s2 =	sld [smem:$0x3F94];
	s0 =	simm.s32 @p1 $0x1  }
0x15: {  	[smem:$0x3FB1] =	sst s0;
	s0 =	simm.s32 @!p2 $0x0  }
0x16: {  	s3 =	sld [smem:$0x3FDB];
	s0 =	simm.s32 @p2 $0x1  }
0x17: {  	s4 =	simm.s32 $0x1BF5;
	[smem:$0x3FB3] =	sst s0  }
0x18: {  	s0 =	sld [smem:$0x3F96];
	_ =	swait.ge [sflag:s4], $0x0  }
0x19: {  	s7 =	sld [smem:$0x3F97]  }
0x1a: {  	s8 =	sadd.s32 $0xFFFFE003, lr  }
0x1b: {  	s9 =	sadd.s32 $0xFFFFFEF7, lr;
	s5 =	simm.s32 $0xFFFFFFFF;
	p2 =	slt.u32 s8, $0xFFFFF086  }
0x1c: {  	p1 =	slt.u32 s9, $0xF7A;
	s5 =	simm.s32 @!p2 $0x0  }
0x1d: {  	s5 =	simm.s32 @p1 $0x1;
	p0 =	seq.s32 s7, s2  }
0x1e: {  	s7 =	smul.u32 @!p0 $0xF7A, s2;
	p2 =	seq.s32 @!p0 s5, $0x0  }
0x1f: {  	s9 =	smul.u32 $0xF7A, s1;
	s8 =	simm.s32 @!p0 $0x1BF5;
	p2 =	por !p2, p0  }
0x20: {  	[sflag:s8] =	ssyncset.s32 @!p0 $0xFFFFF086;
	s6 =	sadd.s32 @!p0 s3, s7;
	s7 =	simm.s32 @!p0 $0x108  }
0x21: {  	s3 =	sadd.s32 s3, s9;
	s6 =	sadd.s32 @!p0 $0x88, s6;
	s7 =	simm.s32 @p2 $0x1082  }
0x22: {  	[simem:s7], [sflag:s8] =	dma.local @!p0 [hbm:s6], $0xF7A  }
0x23: {  	s9 =	sor.u32 $0xD0000000, s2;
	s6 =	simm.s32 $0x108;
	_ =	swait.ge @!p0 [sflag:s8], $0x0  }
0x24: {  	s3 =	sadd.s32 $0x88, s3;
	s6 =	simm.s32 @!p1 $0x1082;
	[sflag:s4] =	ssyncset.s32 $0xFFFFF086  }
0x25: {  	[simem:s6], [sflag:s4] =	dma.local [hbm:s3], $0xF7A  }
0x26: {  	[smem:$0x3F97] =	sst s1;
	(tag) =	ssettag s2;
	_ =	strace s9  }
0x27: {  	s1 =	sld [smem:$0x3FA7]  }
0x28: {  	s2 =	sld [smem:$0x3FA8]  }
0x29: {  	s4 =	sld [smem:$0x3FAA]  }
0x2a: {  	p0 =	seq.s32 s5, $0x0;
	s5 =	sld [smem:$0x3FAB]  }
0x2b: {  	s6 =	sld [smem:$0x3FAC]  }
0x2c: {  	s7 =	sld [smem:$0x3FAD]  }
0x2d: {  	s3 =	simm.s32 $0x108;
	s8 =	sld [smem:$0x3FAE]  }
0x2e: {  	s3 =	simm.s32 @!p0 $0x1082;
	s9 =	sld [smem:$0x3FAF]  }
0x2f: {  	lr =	sadd.s32 s0, s3;
	s0 =	sld [smem:$0x3FA6]  }
0x30: {  	s3 =	sld [smem:$0x3FA9]  }
0x31: {  	[smem:$0x3FB2] =	sst s10  }
0x32: {  	s10 =	sld [smem:$0x3FB0];
	_ =	sdelay $0x3  }
0x33: {  	p0 =	seq.s32 s10, $0x1;
	s10 =	sld [smem:$0x3FB2];
	_ =	sdelay $0x3  }
0x34: {  	[smem:$0x3FB2] =	sst s10  }
0x35: {  	s10 =	sld [smem:$0x3FB1];
	_ =	sdelay $0x3  }
0x36: {  	p1 =	seq.s32 s10, $0x1;
	s10 =	sld [smem:$0x3FB2];
	_ =	sdelay $0x3  }
0x37: {  	[smem:$0x3FB2] =	sst s10  }
0x38: {  	s10 =	sld [smem:$0x3FB3]  }
0x39: {  	_ = 	snop;
	(pc) =	sbr.ind lr, $3  }
0x3a: {  	_ = 	snop  }
0x3b: {  	_ = 	snop  }
0x3c: {  	p2 =	seq.s32 s10, $0x1;
	s10 =	sld [smem:$0x3FB2]  }
0x3d: {  	_ =	shalt  }
0x3e: {  	_ =	shalt  }
0x3f: {  	_ =	shalt  }
0x40: {  	_ =	shalt  }
0x41: {  	_ =	shalt  }
0x42: {  	_ =	shalt  }
0x43: {  	_ =	shalt  }
0x44: {  	_ =	shalt  }
0x45: {  	_ =	shalt  }
0x46: {  	_ =	shalt  }
0x47: {  	_ =	shalt  }
0x48: {  	_ =	shalt  }
0x49: {  	_ =	shalt  }
0x4a: {  	_ =	shalt  }
0x4b: {  	_ =	shalt  }
0x4c: {  	_ =	shalt  }
0x4d: {  	_ =	shalt  }
0x4e: {  	_ =	shalt  }
0x4f: {  	_ =	shalt  }
0x50: {  	_ =	shalt  }
0x51: {  	_ =	shalt  }
0x52: {  	_ =	shalt  }
0x53: {  	_ =	shalt  }
0x54: {  	_ =	shalt  }
0x55: {  	_ =	shalt  }
0x56: {  	_ =	shalt  }
0x57: {  	_ =	shalt  }
0x58: {  	_ =	shalt  }
0x59: {  	_ =	shalt  }
0x5a: {  	_ =	shalt  }
0x5b: {  	_ =	shalt  }
0x5c: {  	_ =	shalt  }
0x5d: {  	_ =	shalt  }
0x5e: {  	_ =	shalt  }
0x5f: {  	_ =	shalt  }
0x60: {  	_ =	shalt  }
0x61: {  	_ =	shalt  }
0x62: {  	_ =	shalt  }
0x63: {  	_ =	shalt  }
0x64: {  	_ =	shalt  }
0x65: {  	_ =	shalt  }
0x66: {  	_ =	shalt  }
0x67: {  	_ =	shalt  }
0x68: {  	_ =	shalt  }
0x69: {  	_ =	shalt  }
0x6a: {  	_ =	shalt  }
0x6b: {  	_ =	shalt  }
0x6c: {  	_ =	shalt  }
0x6d: {  	_ =	shalt  }
0x6e: {  	_ =	shalt  }
0x6f: {  	_ =	shalt  }
0x70: {  	_ =	shalt  }
0x71: {  	_ =	shalt  }
0x72: {  	_ =	shalt  }
0x73: {  	_ =	shalt  }
0x74: {  	_ =	shalt  }
0x75: {  	_ =	shalt  }
0x76: {  	_ =	shalt  }
0x77: {  	_ =	shalt  }
0x78: {  	_ =	shalt  }
0x79: {  	_ =	shalt  }
0x7a: {  	_ =	shalt  }
0x7b: {  	_ =	shalt  }
0x7c: {  	_ =	shalt  }
0x7d: {  	_ =	shalt  }
0x7e: {  	_ =	shalt  }
0x7f: {  	_ =	shalt  }
0x80: {  	_ =	shalt  }
0x81: {  	_ =	shalt  }
0x82: {  	_ =	shalt  }
0x83: {  	_ =	shalt  }
0x84: {  	_ =	shalt  }
0x85: {  	_ =	shalt  }
0x86: {  	_ =	shalt  }
0x87: {  	_ =	shalt  }
.Lfunc_end0:
.L_simem_size_0:
called_computation_lowered:
.L_overlay_start_0:
0x88: {  	s2 =	sld [smem:$0x3FD9]  }
0x89: {  	s3 =	sld [smem:$0x3FFE];
	_ =	sdelay $0x1  }
0x8a: {  	s1 =	srdreg.scid  }
0x8b: {  	s0 =	sand.u32 $0x1, s1  }
0x8c: {  	s17 =	sshll.u32 s0, $0xA;
	s2 =	sadd.s32 s3, s2  }
0x8d: {  	s2 =	sadd.s32 s2, s17  }
0x8e: {  	[smem:$0x3FBE] =	sst s2  }
0x8f: {  	_ = 	snop  }
0x90: {  	s2 =	sld [smem:$0x3FC8]  }
0x91: {  	s18 =	sld [smem:$0x3FC7];
	(tm) =	ssettm $0x1  }
0x92: {  	s4 =	sld [smem:$0x3FFB];
	_ =	sdelay $0x3  }
0x93: {  	_ =	strace s4  }
0x94: {  	s4 =	sld [smem:$0x3FFC];
	_ =	sdelay $0x3  }
0x95: {  	_ =	strace s4  }
0x96: {  	s4 =	sld [smem:$0x3FFD];
	_ =	sdelay $0x3  }
0x97: {  	_ =	strace s4  }
0x98: {  	_ =	strace $0x8FFFFFFF  }
0x99: {  	s19 =	sld [smem:$0x3FDB];
	_ =	sdelay $0x1  }
0x9a: {  	s5 =	simm.s32 $_scs_section_size  }
0x9b: {  	s6 =	simm.s32 $_size__tile_overlayer_lowered;
	s7 =	simm.s32 $_tile_overlayer_lowered  }
0x9c: {  	s22 =	simm.s32 $0x1BFF;
	s21 =	sshll.u32 s7, $0x1;
	s4 =	sadd.s32 s5, s19  }
0x9d: {  	s8 =	simm.s32 $0x0;
	s20 =	sshll.u32 s6, $0x1;
	s6 =	sadd.s32 s21, s4  }
0x9e: {  	[timem:s8], [sflag:s22] =	dma.local [hbm:s6], s20  }
0x9f: {  	_ =	swait.ge [sflag:s22], s20  }
0xa0: {  	s5 =	ssub.s32 $0x0, s20;
	[sflag:s22] =	ssyncset.done $0x0  }
0xa1: {  	[sflag:s22] =	ssyncadd.s32 s5;
	_ =	sdelay $0x1  }
0xa2: {  	s23 =	simm.s32 $0x1B8B  }
0xa3: {  	_ =	swait.ge [sflag:s23], $0x1  }
0xa4: {  	[sflag:s23] =	ssyncset.done $0x0  }
0xa5: {  	s25 =	simm.s32 $0x1B8E;
	s24 =	sld [smem:$0x3FFE];
	[sflag:s23] =	ssyncadd.s32 $0xFFFFFFFF  }
0xa6: {  	s26 =	simm.s32 $execute0_lowered;
	[smem:$0x3FD2] =	sst s25  }
0xa7: {  	s6 =	sshll.u32 s26, $0x1;
	_ =	strace $0x80000046;
	[dreg:$0x1] =	wrdreg $0xFFFFFFFF  }
0xa8: {  	s28 =	simm.s32 $_size_execute0_lowered;
	s4 =	sadd.s32 s4, s6;
	[dreg:$0x0] =	wrdreg $0x0  }
0xa9: {  	s6 =	sshll.u32 s28, $0x1;
	[dreg:$0x2] =	wrdreg s4  }
0xaa: {  	[dreg:$0x3] =	wrdreg s6  }
0xab: {  	[dreg:$0x4] =	wrdreg $0xC0  }
0xac: {  	_ =	task [dreg:s8], $0x5FFFF  }
0xad: {  	[dreg:$0x1] =	wrdreg $0xFFFFFFFF  }
0xae: {  	[dreg:$0x0] =	wrdreg $0x60  }
0xaf: {  	[dreg:$0x2] =	wrdreg s18  }
0xb0: {  	[dreg:$0x3] =	wrdreg s2  }
0xb1: {  	[dreg:$0x4] =	wrdreg s24  }
0xb2: {  	[dreg:$0x5] =	wrdreg $0x1D000  }
0xb3: {  	[dreg:$0x6] =	wrdreg $0x9  }
0xb4: {  	_ =	task.clear_ibuf [dreg:s8], $0x7FFFF;
	_ =	strace $0x90000046  }
0xb5: {  	s29 =	simm.s32 $0x9;
	_ =	strace $0x80000048  }
0xb6: {  	_ =	swait.ge [sflag:s29], $0x1  }
0xb7: {  	[sflag:s29] =	ssyncadd.s32 $0xFFFFFFFF  }
0xb8: {  	_ =	strace $0x90000048  }
0xb9: {  	_ =	sfence  }
0xba: {  	s30 =	sld [smem:$0x0];
	_ =	sdelay $0x2  }
0xbb: {  	s31 =	sshll.u32 s1, $0xD;
	s1 =	sshrl.u32 s1, $0x2  }
0xbc: {  	s3 =	sand.u32 $0x4000, s31;
	s1 =	sadd.s32 s1, s30  }
0xbd: {  	s0 =	sor.u32 s3, s0;
	s1 =	sshll.u32 s1, $0x11  }
0xbe: {  	s0 =	sor.u32 s1, s0  }
0xbf: {  	s0 =	sadd.s32 $0x8F2B, s0  }
0xc0: {  	[sflag:s0] =	ssyncadd.remote.s32 $0x1  }
0xc1: {  	_ =	sfence.sel $0xFFFF  }
0xc2: {  	[dreg:$0x0] =	wrdreg $0xFFFFFFFF;
	(pc) =	sbr.abs _section_cstart, $3  }
0xc3: {  	[dreg:$0x1] =	wrdreg $0xFFFFFFFF  }
0xc4: {  	_ =	task.clear_ibuf [dreg:s8], $0x2FFFF;
	_ =	strace $0x9FFFFFFF  }
0xc5: {  	(tm) =	ssettm $0x7FFFFFFF  }
tec
execute0_lowered:
.L_overlay_start_1:
0x0: {  	(tag) =	ssettag $0x1  }
0x1: {  	s10 =	rddreg [dreg:$0x0]  }
0x2: {  	s11 =	rddreg [dreg:$0x1]  }
0x3: {  	s4 =	rddreg [dreg:$0x2]  }
0x4: {  	s2 =	rddreg [dreg:$0x3]  }
0x5: {  	s0 =	rddreg [dreg:$0x4]  }
0x6: {  	s3 =	simm.s32 $0x0;
	s5 =	srdreg.scid;
	s1 =	stileid.u32  }
0x7: {  	s18 =	simm.s32 $0x50;
	s21 =	simm.s32 $0x20;
	s22 =	simm.s32 $0x10  }
0x8: {  	s23 =	simm.s32 $0x0;
	s5 =	sand.u32 $0x1, s5;
	s6 =	smul.u32 $0x3200, s1  }
0x9: {  	s7 =	sshll.u32 s1, $0x1;
	[smem:$0x7FF] =	sst s3;
	s16 =	smul.u32 $0x6400, s1  }
0xa: {  	s19 =	sshll.u32 s1, $0x6;
	s8 =	sshll.u32 s5, $0x7;
	s15 =	sor.u32 s5, s7  }
0xb: {  	s5 =	ssub.s32 $0x2, s5;
	_ =	strace $0x80000047;
	s19 =	sor.u32 $0x1C01, s19  }
0xc: {  	s6 =	sor.u32 s8, s6;
	s7 =	smul.u32 $0x140, s15;
	s30 =	sshrl.u32 s5, $0x1  }
0xd: {  	s31 =	sshrl.u32 s16, $0x2;
	p0 =	seq.s32 s15, $0x1F;
	s15 =	simm.s32 $0x1  }
0xe: {  	s16 =	simm.s32 $0x200;
	s6 =	sshrl.u32 s6, $0x3;
	s14 =	ssub.s32 s5, s30  }
0xf: {  	s13 =	sadd.s32 s6, s4;
	s9 =	sshrl.u32 s7, $0x3;
	s14 =	smax.u32 s14, $0x1  }
0x10: {  	s4 =	sadd.s32 s10, s9;
	s5 =	sadd.s32 s11, s9;
	s7 =	sadd.s32 $0xA, s9  }
0x11: {  	s12 =	sadd.s32 $0x14, s9;
	s17 =	sadd.s32 $0x1E, s9;
	s13 =	sadd.s32 $0xE00, s13  }
0x12: {  	s6 =	sadd.s32 s10, s7;
	s7 =	sadd.s32 s11, s7;
	s8 =	sadd.s32 s10, s12  }
0x13: {  	s9 =	sadd.s32 s11, s12;
	s10 =	sadd.s32 s10, s17;
	s12 =	sadd.s32 s31, s2  }
0x14: {  	v0 =	vimm.f32 $0.0e+00;
	s11 =	sadd.s32 s11, s17;
	s17 =	simm.s32 $0x400;
	s20 =	sshrl.u32 s12, $0x3  }
.LBB2_1:
0x15: {  	[tilespmem:s3], [sflag:$0x1] =	stream.linear.gather [hbm4b:s4+s3], $0x50, $0x38;
	[tilespmem:$0x3600] =	vst v63  }
0x16: {  	_ =	swait.ge [sflag:s15], $0x50  }
0x17: {  	[sflag:s15] =	ssyncset.done $0x0  }
0x18: {  	[sflag:s15] =	ssyncadd.s32 $0xFFFFFFB0  }
0x19: {  	[tilespmem:s16], [sflag:$0x1] =	stream.linear.gather [hbm4b:s5+s3], $0x50, $0x38;
	[tilespmem:$0x3600] =	vst v63  }
0x1a: {  	_ =	swait.ge [sflag:s15], $0x50  }
0x1b: {  	[sflag:s15] =	ssyncset.done $0x0  }
0x1c: {  	s24 =	simm.s32 @!p0 $0x0;
	s25 =	simm.s32 @!p0 $0x80;
	[sflag:s15] =	ssyncadd.s32 $0xFFFFFFB0  }
0x1d: {  	[tilespmem:s25], [sflag:$0x1] =	stream.linear.gather @!p0 [hbm4b:s6+s24], $0x50, $0x38;
	[tilespmem:$0x3600] =	vst v63  }
0x1e: {  	s25 =	simm.s32 @!p0 $0x1  }
0x1f: {  	_ =	swait.ge @!p0 [sflag:s25], $0x50  }
0x20: {  	[sflag:s25] =	ssyncset.done @!p0 $0x0  }
0x21: {  	s26 =	simm.s32 @!p0 $0x280;
	[sflag:s25] =	ssyncadd.s32 @!p0 $0xFFFFFFB0  }
0x22: {  	[tilespmem:s26], [sflag:$0x1] =	stream.linear.gather @!p0 [hbm4b:s7+s24], $0x50, $0x38;
	[tilespmem:$0x3600] =	vst v63  }
0x23: {  	_ =	swait.ge @!p0 [sflag:s25], $0x50  }
0x24: {  	[sflag:s25] =	ssyncset.done @!p0 $0x0  }
0x25: {  	s26 =	simm.s32 @!p0 $0x100;
	[sflag:s25] =	ssyncadd.s32 @!p0 $0xFFFFFFB0  }
0x26: {  	[tilespmem:s26], [sflag:$0x1] =	stream.linear.gather @!p0 [hbm4b:s8+s24], $0x50, $0x38;
	[tilespmem:$0x3600] =	vst v63  }
0x27: {  	_ =	swait.ge @!p0 [sflag:s25], $0x50  }
0x28: {  	[sflag:s25] =	ssyncset.done @!p0 $0x0  }
0x29: {  	s26 =	simm.s32 @!p0 $0x300;
	[sflag:s25] =	ssyncadd.s32 @!p0 $0xFFFFFFB0  }
0x2a: {  	[tilespmem:s26], [sflag:$0x1] =	stream.linear.gather @!p0 [hbm4b:s9+s24], $0x50, $0x38;
	[tilespmem:$0x3600] =	vst v63  }
0x2b: {  	_ =	swait.ge @!p0 [sflag:s25], $0x50  }
0x2c: {  	[sflag:s25] =	ssyncset.done @!p0 $0x0  }
0x2d: {  	s26 =	simm.s32 @!p0 $0x180;
	[sflag:s25] =	ssyncadd.s32 @!p0 $0xFFFFFFB0  }
0x2e: {  	[tilespmem:s26], [sflag:$0x1] =	stream.linear.gather @!p0 [hbm4b:s10+s24], $0x50, $0x38;
	[tilespmem:$0x3600] =	vst v63  }
0x2f: {  	_ =	swait.ge @!p0 [sflag:s25], $0x50  }
0x30: {  	[sflag:s25] =	ssyncset.done @!p0 $0x0  }
0x31: {  	s26 =	simm.s32 @!p0 $0x380;
	[sflag:s25] =	ssyncadd.s32 @!p0 $0xFFFFFFB0  }
0x32: {  	[tilespmem:s26], [sflag:$0x1] =	stream.linear.gather @!p0 [hbm4b:s11+s24], $0x50, $0x38;
	[tilespmem:$0x3600] =	vst v63  }
0x33: {  	_ =	swait.ge @!p0 [sflag:s25], $0x50  }
0x34: {  	[sflag:s25] =	ssyncset.done @!p0 $0x0  }
0x35: {  	s24 =	simm.s32 $0x40;
	[sflag:s25] =	ssyncadd.s32 @!p0 $0xFFFFFFB0;
	s25 =	simm.s32 $0x0  }
.LBB2_2:
0x36: {  	p1 =	sne.s32 s24, $0x63C0;
	[tilespmem:s25+$0x400] =	vst v0;
	s25 =	smov.u32 s24;
	s24 =	sadd.s32 $0x40, s24  }
.Ltmp0:
0x37: {  	(pc) =	sbr.rel @p1 .LBB2_2-.Ltmp0, $2  }
0x38: {  	_ =	sdelay $0x2  }
0x39: {  	s25 =	sshra.s32 s25, $0x2  }
0x3a: {  	[tilespmem:s25+$0x400] =	vst v0  }
0x3b: {  	[spmem:s12] =	stream.linear.scatter [tilespmem:s17], [sflag:$0x1], $0x1900, $0x38;
	[tilespmem:$0x3600] =	vst v63  }
0x3c: {  	_ =	swait.ge [sflag:s15], $0x1900  }
0x3d: {  	[sflag:s15] =	ssyncset.done $0x0  }
0x3e: {  	[sflag:s15] =	ssyncadd.s32 $0xFFFFE700  }
0x3f: {  	[bflag:$0x0] =	sbarrier.arrive $0xFFFF  }
0x40: {  	[spmem:s2] =	stream.indirect.scatter.add.f32 [tilespmem:s16], [sflag:$0x1], $0x1, s3, s18, $0xb8;
	[tilespmem:$0x3600] =	vst v63  }
0x41: {  	_ =	swait.ge [sflag:s15], $0x50  }
0x42: {  	s24 =	simm.s32 @!p0 $0x50;
	[sflag:s15] =	ssyncset.done $0x0  }
0x43: {  	s25 =	simm.s32 @!p0 $0x80;
	s26 =	simm.s32 @!p0 $0x280;
	[sflag:s15] =	ssyncadd.s32 $0xFFFFFFB0  }
0x44: {  	[spmem:s2] =	stream.indirect.scatter.add.f32 @!p0 [tilespmem:s26], [sflag:$0x1], $0x1, s25, s24, $0xb8;
	[tilespmem:$0x3600] =	vst v63  }
0x45: {  	s25 =	simm.s32 @!p0 $0x1  }
0x46: {  	_ =	swait.ge @!p0 [sflag:s25], $0x50  }
0x47: {  	[sflag:s25] =	ssyncset.done @!p0 $0x0  }
0x48: {  	s28 =	simm.s32 @!p0 $0x300;
	s26 =	simm.s32 @!p0 $0x100;
	[sflag:s25] =	ssyncadd.s32 @!p0 $0xFFFFFFB0  }
0x49: {  	[spmem:s2] =	stream.indirect.scatter.add.f32 @!p0 [tilespmem:s28], [sflag:$0x1], $0x1, s26, s24, $0xb8;
	[tilespmem:$0x3600] =	vst v63  }
0x4a: {  	_ =	swait.ge @!p0 [sflag:s25], $0x50  }
0x4b: {  	[sflag:s25] =	ssyncset.done @!p0 $0x0  }
0x4c: {  	s26 =	simm.s32 @!p0 $0x180;
	s28 =	simm.s32 @!p0 $0x380;
	[sflag:s25] =	ssyncadd.s32 @!p0 $0xFFFFFFB0  }
0x4d: {  	[spmem:s2] =	stream.indirect.scatter.add.f32 @!p0 [tilespmem:s28], [sflag:$0x1], $0x1, s26, s24, $0xb8;
	[tilespmem:$0x3600] =	vst v63  }
0x4e: {  	_ =	swait.ge @!p0 [sflag:s25], $0x50  }
0x4f: {  	s23 =	sadd.s32 $0x1, s23;
	[sflag:s25] =	ssyncset.done @!p0 $0x0  }
0x50: {  	p1 =	sne.s32 s23, s14;
	[sflag:s25] =	ssyncadd.s32 @!p0 $0xFFFFFFB0  }
.Ltmp1:
0x51: {  	[bflag:$0x0] =	sbarrier.arrive $0xFFFF;
	(pc) =	sbr.rel @p1 .LBB2_1-.Ltmp1, $4  }
0x52: {  	[hbm:s13@s21], [sflag:s19] =	dma.strided [spmem:s20@s22], $0x320, s15, $0x10   }
0x53: {  	_ =	swait.ge [sflag:s15], $0x320  }
0x54: {  	[sflag:s15] =	ssyncset.done $0x0  }
0x55: {  	[sflag:s15] =	ssyncadd.s32 $0xFFFFFCE0  }
0x56: {  	_ =	sfence.sel $0x180000  }
0x57: {  	[bflag:$0x0] =	sbarrier.arrive $0xFFFF  }
0x58: {  	p0 =	sne.s32 s1, $0x0;
	_ =	strace $0x90000047  }
0x59: {  	s0 =	sadd.s32 @!p0 $0x100000, s0;
	[bflag:$0x2] =	sbarrier.arrive $0xFFFF  }
0x5a: {  	[sflag:s0] =	ssyncadd.tile.s32 @!p0 $0x1;
	_ =	shalt  }
.Lfunc_end2:
_tile_overlayer_lowered:
.L_overlay_start_2:
0x5b: {  	(tag) =	ssettag $0x2  }
0x5c: {  	s0 =	rddreg [dreg:$0x0];
	s2 =	stileid.u32  }
0x5d: {  	s1 =	rddreg [dreg:$0x1];
	p0 =	sne.s32 s2, $0x0  }
0x5e: {  	s3 =	rddreg [dreg:$0x2];
	[bflag:$0x3] =	sbarrier.arrive $0xFFFF;
	s2 =	simm.s32 @!p0 $0x1C01  }
0x5f: {  	[timem:s3], [sflag:s2] =	dma.local @!p0 [hbm:s0], s1  }
0x60: {  	s0 =	simm.s32 @!p0 $0x1  }
0x61: {  	_ =	swait.ge @!p0 [sflag:s0], s1  }
0x62: {  	s1 =	ssub.s32 @!p0 $0x0, s1;
	[sflag:s0] =	ssyncset.done @!p0 $0x0  }
0x63: {  	[sflag:s0] =	ssyncadd.s32 @!p0 s1  }
0x64: {  	[bflag:$0x3] =	sbarrier.arrive $0xFFFF  }
0x65: {  	_ =	shalt  }

</sc_bundles>
